<compile_context>
chip_gen: v7x
topology: tpu7x:2x2x1
jax: 0.10.2.dev20260603
libtpu: 0.0.44.dev20260713+nightly
codegen_flags: <defaults>
</compile_context>

<pallas_src>
import functools

import jax
import jax.numpy as jnp
from jax import lax
from jax.experimental import pallas as pl
from jax.experimental.pallas import tpu as pltpu
from jax.experimental.pallas import tpu_sc as plsc

D = 128
SU = (96, 104)
NB = 4
PF = 2
NC = 2
NS = 16
NW = NC * NS


@functools.lru_cache(maxsize=None)
def _build(B, T):
    rpw = B // NW
    nu = rpw * 2
    ntok = rpw * T
    mesh = plsc.VectorSubcoreMesh(core_axis_name="c", subcore_axis_name="s")

    @functools.partial(
        pl.kernel,
        mesh=mesh,
        out_type=jax.ShapeDtypeStruct((B, T, D), jnp.float32),
        scratch_types=[
            pltpu.VMEM((ntok,), jnp.int32),
            pltpu.VMEM((NB, SU[1], D), jnp.float32),
            pltpu.VMEM((T, D), jnp.float32),
            pltpu.SemaphoreType.DMA,
            pltpu.SemaphoreType.DMA,
            pltpu.SemaphoreType.DMA,
            pltpu.SemaphoreType.DMA,
            pltpu.SemaphoreType.DMA,
            pltpu.SemaphoreType.DMA,
            pltpu.SemaphoreType.DMA,
            pltpu.SemaphoreType.DMA,
        ],
    )
    def emb(x_hbm, tok_hbm, pos_hbm, out_hbm, idx_v, rows_v, pos_v,
            sg0, sg1, sg2, sg3, so0, so1, so2, so3):
        wid = lax.axis_index("s") * NC + lax.axis_index("c")
        tok0 = wid * ntok
        row0 = wid * rpw
        sgs = (sg0, sg1, sg2, sg3)
        sos = (so0, so1, so2, so3)

        pltpu.sync_copy(pos_hbm, pos_v)
        pltpu.sync_copy(x_hbm.at[pl.ds(tok0, ntok)], idx_v)

        def start_gather(k, b):
            su = SU[b % 2]
            off = (2 * k + b // 2) * T + (b % 2) * SU[0]
            pltpu.async_copy(tok_hbm.at[idx_v.at[pl.ds(off, su)]],
                             rows_v.at[b].at[pl.ds(0, su)], sgs[b])

        def wait_gather(b):
            su = SU[b % 2]
            pltpu.make_async_copy(tok_hbm.at[idx_v.at[pl.ds(0, su)]],
                                  rows_v.at[b].at[pl.ds(0, su)],
                                  sgs[b]).wait()

        def start_out(k, b):
            su = SU[b % 2]
            brow = row0 + 2 * k + b // 2
            pltpu.async_copy(rows_v.at[b].at[pl.ds(0, su)],
                             out_hbm.at[brow].at[pl.ds((b % 2) * SU[0], su)],
                             sos[b])

        def wait_out(b):
            su = SU[b % 2]
            pltpu.make_async_copy(rows_v.at[b].at[pl.ds(0, su)],
                                  out_hbm.at[0].at[pl.ds(0, su)],
                                  sos[b]).wait()

        def add_pos(b):
            su = SU[b % 2]
            t0 = (b % 2) * SU[0]

            @plsc.parallel_loop(0, su, 1, unroll=4)
            def row(i):
                for d in range(D // 16):
                    s0 = pl.ds(d * 16, 16)
                    rows_v[b, i, s0] = rows_v[b, i, s0] + pos_v[t0 + i, s0]

        for b in range(PF):
            start_gather(0, b)

        def body(k, carry):
            for b in range(NB):
                u = NB * k + b
                pb = (b + PF) % NB
                have_next = u + PF < nu
                if b + PF < NB:
                    can_wait = jnp.logical_and(have_next, k >= 1)
                else:
                    can_wait = have_next

                @pl.when(can_wait)
                def _():
                    wait_out(pb)

                @pl.when(have_next)
                def _():
                    start_gather(k + (b + PF) // NB, pb)

                wait_gather(b)
                add_pos(b)
                start_out(k, b)
            return carry

        lax.fori_loop(0, nu // NB, body, 0)
        for b in range(NB):
            wait_out(b)

    return emb


def kernel(x, token_table, pos_table):
    B, T = x.shape
    xf = x.reshape(B * T).astype(jnp.int32)
    return _build(B, T)(xf, token_table, pos_table)

# --- scband reference (transcript-rebuilt; emitter-appended) ---
"""Pipeline reference for scband-token-postion-embedding-10462540333486 (READ-ONLY COPY).

The authoritative reference and input builder live on the scoring server;
editing this copy changes nothing except your own understanding.
"""

import jax, jax.numpy as jnp
import numpy as np

VOCAB = 100000
MAXLEN = 200
EMBED_DIM = 128
BATCH = 4096

def setup_inputs(seed: int = 0) -> dict:
    key = jax.random.key(seed)
    k1, k2, k3 = jax.random.split(key, 3)
    x = jax.random.randint(k1, (BATCH, MAXLEN), 0, VOCAB, dtype=jnp.int64 if jax.config.jax_enable_x64 else jnp.int32)
    token_table = jax.random.normal(k2, (VOCAB, EMBED_DIM), dtype=jnp.float32) * 0.02
    pos_table = jax.random.normal(k3, (MAXLEN, EMBED_DIM), dtype=jnp.float32) * 0.02
    return {"x": x, "token_table": token_table, "pos_table": pos_table}

def reference(x, token_table, pos_table):
    seq_len = x.shape[-1]
    positions = jnp.arange(seq_len)
    pos_emb = jnp.take(pos_table, positions, axis=0)  # [maxLen, D]
    tok_emb = jnp.take(token_table, x, axis=0)        # [B, maxLen, D]
    return tok_emb + pos_emb[None, :, :]

if __name__ == "__main__":
    import jax
    _d = setup_inputs()
    print(jax.jit(kernel)(*tuple(_d.values())))

</pallas_src>

<mosaic_0001>
#map = affine_map<(d0, d1) -> (0)>
#map1 = affine_map<(d0, d1) -> (0, 0)>
#map2 = affine_map<(d0, d1) -> (0, 0, 0)>
module attributes {stable_mosaic.version = 14 : i64} {
  func.func @emb(%arg0: i32, %arg1: i32, %arg2: memref<819200xi32, #tpu.memory_space<hbm>>, %arg3: memref<100000x128xf32, #tpu.memory_space<hbm>>, %arg4: memref<200x128xf32, #tpu.memory_space<hbm>>, %arg5: memref<4096x200x128xf32, #tpu.memory_space<hbm>>, %arg6: memref<25600xi32, #tpu.memory_space<vmem>>, %arg7: memref<4x104x128xf32, #tpu.memory_space<vmem>>, %arg8: memref<200x128xf32, #tpu.memory_space<vmem>>, %arg9: memref<!tpu.dma_semaphore, #tpu.memory_space<semaphore_mem>>, %arg10: memref<!tpu.dma_semaphore, #tpu.memory_space<semaphore_mem>>, %arg11: memref<!tpu.dma_semaphore, #tpu.memory_space<semaphore_mem>>, %arg12: memref<!tpu.dma_semaphore, #tpu.memory_space<semaphore_mem>>, %arg13: memref<!tpu.dma_semaphore, #tpu.memory_space<semaphore_mem>>, %arg14: memref<!tpu.dma_semaphore, #tpu.memory_space<semaphore_mem>>, %arg15: memref<!tpu.dma_semaphore, #tpu.memory_space<semaphore_mem>>, %arg16: memref<!tpu.dma_semaphore, #tpu.memory_space<semaphore_mem>>) attributes {dimension_semantics = [#tpu.dimension_semantics<core_parallel>, #tpu.dimension_semantics<subcore_parallel>], iteration_bounds = array<i64: 2, 16>, scalar_prefetch = 0 : i64, scratch_operands = 11 : i64, tpu.core_type = #tpu.core_type<sc_vector_subcore>, window_params = [{transform_indices = #map}, {transform_indices = #map1}, {transform_indices = #map1}, {transform_indices = #map2}]} {
    %mul3A = arith.constant 2 : i32
    %mul3A_0 = arith.muli %arg1, %mul3A : i32
    %add3A = arith.addi %mul3A_0, %arg0 : i32
    %mul3A_1 = arith.constant 25600 : i32
    %mul3A_2 = arith.muli %add3A, %mul3A_1 : i32
    %mul3A_3 = arith.constant 128 : i32
    %mul3A_4 = arith.muli %add3A, %mul3A_3 : i32
    "tpu.region"() ({
      %run_scoped3A = tpu.sem_alloc : memref<!tpu.dma_semaphore, #tpu.memory_space<semaphore_mem>>
      tpu.enqueue_dma source(%arg4 : memref<200x128xf32, #tpu.memory_space<hbm>>) target(%arg8 : memref<200x128xf32, #tpu.memory_space<vmem>>) target_semaphore(%run_scoped3A : memref<!tpu.dma_semaphore, #tpu.memory_space<semaphore_mem>>)
      tpu.wait_dma2 semaphore(%run_scoped3A : memref<!tpu.dma_semaphore, #tpu.memory_space<semaphore_mem>>) src(%arg4 : memref<200x128xf32, #tpu.memory_space<hbm>>) dst(%arg8 : memref<200x128xf32, #tpu.memory_space<vmem>>)
      tpu.yield
    }) : () -> ()
    "tpu.region"() ({
      %run_scoped3A = tpu.sem_alloc : memref<!tpu.dma_semaphore, #tpu.memory_space<semaphore_mem>>
      %dma_start3A_154 = tpu.memref_slice %arg2[%mul3A_2] : memref<819200xi32, #tpu.memory_space<hbm>> -> memref<25600xi32, #tpu.memory_space<hbm>>
      %dma_start3A_155 = tpu.memref_slice %arg2[%mul3A_2] : memref<819200xi32, #tpu.memory_space<hbm>> -> memref<25600xi32, #tpu.memory_space<hbm>>
      tpu.enqueue_dma source(%dma_start3A_155 : memref<25600xi32, #tpu.memory_space<hbm>>) target(%arg6 : memref<25600xi32, #tpu.memory_space<vmem>>) target_semaphore(%run_scoped3A : memref<!tpu.dma_semaphore, #tpu.memory_space<semaphore_mem>>)
      %dma_wait3A_156 = tpu.memref_slice %arg2[%mul3A_2] : memref<819200xi32, #tpu.memory_space<hbm>> -> memref<25600xi32, #tpu.memory_space<hbm>>
      %dma_wait3A_157 = tpu.memref_slice %arg2[%mul3A_2] : memref<819200xi32, #tpu.memory_space<hbm>> -> memref<25600xi32, #tpu.memory_space<hbm>>
      tpu.wait_dma2 semaphore(%run_scoped3A : memref<!tpu.dma_semaphore, #tpu.memory_space<semaphore_mem>>) src(%dma_wait3A_157 : memref<25600xi32, #tpu.memory_space<hbm>>) dst(%arg6 : memref<25600xi32, #tpu.memory_space<vmem>>)
      tpu.yield
    }) : () -> ()
    %dma_start3A = arith.constant 0 : i32
    %dma_start3A_5 = arith.constant 0 : i32
    %dma_start3A_6 = arith.constant 0 : i32
    %dma_start3A_7 = tpu.memref_slice %arg7[%dma_start3A, %dma_start3A_5, %dma_start3A_6] : memref<4x104x128xf32, #tpu.memory_space<vmem>> -> memref<1x104x128xf32, #tpu.memory_space<vmem>>
    %dma_start3A_8 = tpu.memref_squeeze %dma_start3A_7 : memref<1x104x128xf32, #tpu.memory_space<vmem>> -> memref<104x128xf32, #tpu.memory_space<vmem>>
    %dma_start3A_9 = arith.constant 0 : i32
    %dma_start3A_10 = arith.constant 0 : i32
    %dma_start3A_11 = tpu.memref_slice %dma_start3A_8[%dma_start3A_9, %dma_start3A_10] : memref<104x128xf32, #tpu.memory_space<vmem>> -> memref<96x128xf32, #tpu.memory_space<vmem>>
    %dma_start3A_12 = arith.constant 0 : i32
    %dma_start3A_13 = tpu.memref_slice %arg6[%dma_start3A_12] : memref<25600xi32, #tpu.memory_space<vmem>> -> memref<96xi32, #tpu.memory_space<vmem>>
    %dma_start3A_14 = arith.constant 0 : i32
    %dma_start3A_15 = arith.constant 0 : i32
    %dma_start3A_16 = tpu.memref_slice %arg3[%dma_start3A_14, %dma_start3A_15] : memref<100000x128xf32, #tpu.memory_space<hbm>> -> memref<100000x128xf32, #tpu.memory_space<hbm>>
    tpu.enqueue_indirect_dma source(%dma_start3A_16 : memref<100000x128xf32, #tpu.memory_space<hbm>>) target(%dma_start3A_11 : memref<96x128xf32, #tpu.memory_space<vmem>>) offsets(%dma_start3A_13 : memref<96xi32, #tpu.memory_space<vmem>>) semaphore(%arg9 : memref<!tpu.dma_semaphore, #tpu.memory_space<semaphore_mem>>)
    %dma_start3A_17 = arith.constant 1 : i32
    %dma_start3A_18 = arith.constant 0 : i32
    %dma_start3A_19 = arith.constant 0 : i32
    %dma_start3A_20 = tpu.memref_slice %arg7[%dma_start3A_17, %dma_start3A_18, %dma_start3A_19] : memref<4x104x128xf32, #tpu.memory_space<vmem>> -> memref<1x104x128xf32, #tpu.memory_space<vmem>>
    %dma_start3A_21 = tpu.memref_squeeze %dma_start3A_20 : memref<1x104x128xf32, #tpu.memory_space<vmem>> -> memref<104x128xf32, #tpu.memory_space<vmem>>
    %dma_start3A_22 = arith.constant 0 : i32
    %dma_start3A_23 = arith.constant 0 : i32
    %dma_start3A_24 = tpu.memref_slice %dma_start3A_21[%dma_start3A_22, %dma_start3A_23] : memref<104x128xf32, #tpu.memory_space<vmem>> -> memref<104x128xf32, #tpu.memory_space<vmem>>
    %dma_start3A_25 = arith.constant 96 : i32
    %dma_start3A_26 = tpu.memref_slice %arg6[%dma_start3A_25] : memref<25600xi32, #tpu.memory_space<vmem>> -> memref<104xi32, #tpu.memory_space<vmem>>
    %dma_start3A_27 = arith.constant 0 : i32
    %dma_start3A_28 = arith.constant 0 : i32
    %dma_start3A_29 = tpu.memref_slice %arg3[%dma_start3A_27, %dma_start3A_28] : memref<100000x128xf32, #tpu.memory_space<hbm>> -> memref<100000x128xf32, #tpu.memory_space<hbm>>
    tpu.enqueue_indirect_dma source(%dma_start3A_29 : memref<100000x128xf32, #tpu.memory_space<hbm>>) target(%dma_start3A_24 : memref<104x128xf32, #tpu.memory_space<vmem>>) offsets(%dma_start3A_26 : memref<104xi32, #tpu.memory_space<vmem>>) semaphore(%arg10 : memref<!tpu.dma_semaphore, #tpu.memory_space<semaphore_mem>>)
    %scan3A = arith.constant 0 : i32
    %scan3A_30 = arith.constant 0 : i32
    %scan3A_31 = arith.constant 64 : i32
    %scan3A_32 = arith.addi %scan3A_30, %scan3A_31 : i32
    %scan3A_33 = arith.constant 1 : i32
    scf.for %scan3A_154 = %scan3A_30 to %scan3A_32 step %scan3A_33  : i32 {
      %mul3A_155 = arith.constant 4 : i32
      %mul3A_156 = arith.muli %mul3A_155, %scan3A_154 : i32
      %add3A_157 = arith.constant 0 : i32
      %add3A_158 = arith.addi %mul3A_156, %add3A_157 : i32
      %add3A_159 = arith.constant 2 : i32
      %add3A_160 = arith.addi %add3A_158, %add3A_159 : i32
      %lt3A = arith.constant 256 : i32
      %lt3A_161 = arith.cmpi slt, %add3A_160, %lt3A : i32
      %ge3A = arith.constant 1 : i32
      %ge3A_162 = arith.cmpi sge, %scan3A_154, %ge3A : i32
      %and3A = arith.andi %lt3A_161, %ge3A_162 : i1
      %convert_element_type3A = arith.extui %and3A : i1 to i32
      %cond3A = arith.constant 0 : i32
      %cond3A_163 = arith.cmpi ne, %convert_element_type3A, %cond3A : i32
      scf.if %cond3A_163 {
        %dma_wait3A_411 = arith.constant 2 : i32
        %dma_wait3A_412 = arith.constant 0 : i32
        %dma_wait3A_413 = arith.constant 0 : i32
        %dma_wait3A_414 = arith.constant 0 : i32
        %dma_wait3A_415 = tpu.memref_slice %arg7[%dma_wait3A_411, %dma_wait3A_413, %dma_wait3A_414] : memref<4x104x128xf32, #tpu.memory_space<vmem>> -> memref<1x104x128xf32, #tpu.memory_space<vmem>>
        %dma_wait3A_416 = tpu.memref_squeeze %dma_wait3A_415 : memref<1x104x128xf32, #tpu.memory_space<vmem>> -> memref<104x128xf32, #tpu.memory_space<vmem>>
        %dma_wait3A_417 = arith.constant 0 : i32
        %dma_wait3A_418 = arith.constant 0 : i32
        %dma_wait3A_419 = tpu.memref_slice %dma_wait3A_416[%dma_wait3A_417, %dma_wait3A_418] : memref<104x128xf32, #tpu.memory_space<vmem>> -> memref<96x128xf32, #tpu.memory_space<vmem>>
        %dma_wait3A_420 = arith.constant 0 : i32
        %dma_wait3A_421 = arith.constant 0 : i32
        %dma_wait3A_422 = tpu.memref_slice %arg5[%dma_wait3A_412, %dma_wait3A_420, %dma_wait3A_421] : memref<4096x200x128xf32, #tpu.memory_space<hbm>> -> memref<1x200x128xf32, #tpu.memory_space<hbm>>
        %dma_wait3A_423 = tpu.memref_squeeze %dma_wait3A_422 : memref<1x200x128xf32, #tpu.memory_space<hbm>> -> memref<200x128xf32, #tpu.memory_space<hbm>>
        %dma_wait3A_424 = arith.constant 0 : i32
        %dma_wait3A_425 = arith.constant 0 : i32
        %dma_wait3A_426 = tpu.memref_slice %dma_wait3A_423[%dma_wait3A_424, %dma_wait3A_425] : memref<200x128xf32, #tpu.memory_space<hbm>> -> memref<96x128xf32, #tpu.memory_space<hbm>>
        %dma_wait3A_427 = arith.constant 0 : i32
        %dma_wait3A_428 = arith.constant 0 : i32
        %dma_wait3A_429 = tpu.memref_slice %arg5[%dma_wait3A_412, %dma_wait3A_427, %dma_wait3A_428] : memref<4096x200x128xf32, #tpu.memory_space<hbm>> -> memref<1x200x128xf32, #tpu.memory_space<hbm>>
        %dma_wait3A_430 = tpu.memref_squeeze %dma_wait3A_429 : memref<1x200x128xf32, #tpu.memory_space<hbm>> -> memref<200x128xf32, #tpu.memory_space<hbm>>
        %dma_wait3A_431 = arith.constant 0 : i32
        %dma_wait3A_432 = arith.constant 0 : i32
        %dma_wait3A_433 = tpu.memref_slice %dma_wait3A_430[%dma_wait3A_431, %dma_wait3A_432] : memref<200x128xf32, #tpu.memory_space<hbm>> -> memref<96x128xf32, #tpu.memory_space<hbm>>
        %dma_wait3A_434 = arith.constant 0 : i32
        %dma_wait3A_435 = arith.constant 0 : i32
        %dma_wait3A_436 = tpu.memref_slice %arg7[%dma_wait3A_411, %dma_wait3A_434, %dma_wait3A_435] : memref<4x104x128xf32, #tpu.memory_space<vmem>> -> memref<1x104x128xf32, #tpu.memory_space<vmem>>
        %dma_wait3A_437 = tpu.memref_squeeze %dma_wait3A_436 : memref<1x104x128xf32, #tpu.memory_space<vmem>> -> memref<104x128xf32, #tpu.memory_space<vmem>>
        %dma_wait3A_438 = arith.constant 0 : i32
        %dma_wait3A_439 = arith.constant 0 : i32
        %dma_wait3A_440 = tpu.memref_slice %dma_wait3A_437[%dma_wait3A_438, %dma_wait3A_439] : memref<104x128xf32, #tpu.memory_space<vmem>> -> memref<96x128xf32, #tpu.memory_space<vmem>>
        tpu.wait_dma2 semaphore(%arg15 : memref<!tpu.dma_semaphore, #tpu.memory_space<semaphore_mem>>) src(%dma_wait3A_440 : memref<96x128xf32, #tpu.memory_space<vmem>>) dst(%dma_wait3A_433 : memref<96x128xf32, #tpu.memory_space<hbm>>)
      } else {
      }
      %convert_element_type3A_164 = arith.extui %lt3A_161 : i1 to i32
      %cond3A_165 = arith.constant 0 : i32
      %cond3A_166 = arith.cmpi ne, %convert_element_type3A_164, %cond3A_165 : i32
      scf.if %cond3A_166 {
        %add3A_411 = arith.constant 0 : i32
        %add3A_412 = arith.addi %scan3A_154, %add3A_411 : i32
        %mul3A_413 = arith.constant 2 : i32
        %mul3A_414 = arith.muli %mul3A_413, %add3A_412 : i32
        %add3A_415 = arith.constant 1 : i32
        %add3A_416 = arith.addi %mul3A_414, %add3A_415 : i32
        %mul3A_417 = arith.constant 200 : i32
        %mul3A_418 = arith.muli %add3A_416, %mul3A_417 : i32
        %add3A_419 = arith.constant 0 : i32
        %add3A_420 = arith.addi %mul3A_418, %add3A_419 : i32
        %dma_start3A_421 = arith.constant 2 : i32
        %dma_start3A_422 = arith.constant 0 : i32
        %dma_start3A_423 = arith.constant 0 : i32
        %dma_start3A_424 = tpu.memref_slice %arg7[%dma_start3A_421, %dma_start3A_422, %dma_start3A_423] : memref<4x104x128xf32, #tpu.memory_space<vmem>> -> memref<1x104x128xf32, #tpu.memory_space<vmem>>
        %dma_start3A_425 = tpu.memref_squeeze %dma_start3A_424 : memref<1x104x128xf32, #tpu.memory_space<vmem>> -> memref<104x128xf32, #tpu.memory_space<vmem>>
        %dma_start3A_426 = arith.constant 0 : i32
        %dma_start3A_427 = arith.constant 0 : i32
        %dma_start3A_428 = tpu.memref_slice %dma_start3A_425[%dma_start3A_426, %dma_start3A_427] : memref<104x128xf32, #tpu.memory_space<vmem>> -> memref<96x128xf32, #tpu.memory_space<vmem>>
        %dma_start3A_429 = tpu.memref_slice %arg6[%add3A_420] : memref<25600xi32, #tpu.memory_space<vmem>> -> memref<96xi32, #tpu.memory_space<vmem>>
        %dma_start3A_430 = arith.constant 0 : i32
        %dma_start3A_431 = arith.constant 0 : i32
        %dma_start3A_432 = tpu.memref_slice %arg3[%dma_start3A_430, %dma_start3A_431] : memref<100000x128xf32, #tpu.memory_space<hbm>> -> memref<100000x128xf32, #tpu.memory_space<hbm>>
        tpu.enqueue_indirect_dma source(%dma_start3A_432 : memref<100000x128xf32, #tpu.memory_space<hbm>>) target(%dma_start3A_428 : memref<96x128xf32, #tpu.memory_space<vmem>>) offsets(%dma_start3A_429 : memref<96xi32, #tpu.memory_space<vmem>>) semaphore(%arg11 : memref<!tpu.dma_semaphore, #tpu.memory_space<semaphore_mem>>)
      } else {
      }
      %dma_wait3A_167 = arith.constant 0 : i32
      %dma_wait3A_168 = arith.constant 0 : i32
      %dma_wait3A_169 = arith.constant 0 : i32
      %dma_wait3A_170 = tpu.memref_slice %arg7[%dma_wait3A_167, %dma_wait3A_168, %dma_wait3A_169] : memref<4x104x128xf32, #tpu.memory_space<vmem>> -> memref<1x104x128xf32, #tpu.memory_space<vmem>>
      %dma_wait3A_171 = tpu.memref_squeeze %dma_wait3A_170 : memref<1x104x128xf32, #tpu.memory_space<vmem>> -> memref<104x128xf32, #tpu.memory_space<vmem>>
      %dma_wait3A_172 = arith.constant 0 : i32
      %dma_wait3A_173 = arith.constant 0 : i32
      %dma_wait3A_174 = tpu.memref_slice %dma_wait3A_171[%dma_wait3A_172, %dma_wait3A_173] : memref<104x128xf32, #tpu.memory_space<vmem>> -> memref<96x128xf32, #tpu.memory_space<vmem>>
      %dma_wait3A_175 = arith.constant 0 : i32
      %dma_wait3A_176 = tpu.memref_slice %arg6[%dma_wait3A_175] : memref<25600xi32, #tpu.memory_space<vmem>> -> memref<96xi32, #tpu.memory_space<vmem>>
      %dma_wait3A_177 = arith.constant 0 : i32
      %dma_wait3A_178 = arith.constant 0 : i32
      %dma_wait3A_179 = tpu.memref_slice %arg3[%dma_wait3A_177, %dma_wait3A_178] : memref<100000x128xf32, #tpu.memory_space<hbm>> -> memref<100000x128xf32, #tpu.memory_space<hbm>>
      tpu.wait_indirect_dma semaphore(%arg9 : memref<!tpu.dma_semaphore, #tpu.memory_space<semaphore_mem>>) src(%dma_wait3A_179 : memref<100000x128xf32, #tpu.memory_space<hbm>>) dst(%dma_wait3A_174 : memref<96x128xf32, #tpu.memory_space<vmem>>)
      %parallel_loop3A = arith.constant 0 : i32
      %parallel_loop3A_180 = arith.constant 96 : i32
      %parallel_loop3A_181 = arith.constant 1 : i32
      scf.for %parallel_loop3A_411 = %parallel_loop3A to %parallel_loop3A_180 step %parallel_loop3A_181  : i32 {
        %parallel_loop3A_412 = arith.constant 0 : i32
        %parallel_loop3A_413 = arith.index_cast %parallel_loop3A_412 : i32 to index
        %parallel_loop3A_414 = arith.index_cast %parallel_loop3A_411 : i32 to index
        %parallel_loop3A_415 = arith.constant 0 : index
        %parallel_loop3A_416 = tpu.vector_load %arg7[%parallel_loop3A_413, %parallel_loop3A_414, %parallel_loop3A_415] {strides = array<i32>} : memref<4x104x128xf32, #tpu.memory_space<vmem>>, vector<1x1x16xf32>,
        %parallel_loop3A_417 = vector.shape_cast %parallel_loop3A_416 : vector<1x1x16xf32> to vector<16xf32>
        %parallel_loop3A_418 = arith.constant 0 : i32
        %parallel_loop3A_419 = arith.addi %parallel_loop3A_418, %parallel_loop3A_411 : i32
        %parallel_loop3A_420 = arith.index_cast %parallel_loop3A_419 : i32 to index
        %parallel_loop3A_421 = arith.constant 0 : index
        %parallel_loop3A_422 = tpu.vector_load %arg8[%parallel_loop3A_420, %parallel_loop3A_421] {strides = array<i32>} : memref<200x128xf32, #tpu.memory_space<vmem>>, vector<1x16xf32>,
        %parallel_loop3A_423 = vector.shape_cast %parallel_loop3A_422 : vector<1x16xf32> to vector<16xf32>
        %parallel_loop3A_424 = arith.addf %parallel_loop3A_417, %parallel_loop3A_423 : vector<16xf32>
        %parallel_loop3A_425 = arith.constant 0 : i32
        %parallel_loop3A_426 = arith.index_cast %parallel_loop3A_425 : i32 to index
        %parallel_loop3A_427 = arith.index_cast %parallel_loop3A_411 : i32 to index
        %parallel_loop3A_428 = arith.constant 0 : index
        %parallel_loop3A_429 = tpu.vector_load %arg7[%parallel_loop3A_426, %parallel_loop3A_427, %parallel_loop3A_428] {strides = array<i32>} : memref<4x104x128xf32, #tpu.memory_space<vmem>>, vector<1x1x16xf32>,
        %parallel_loop3A_430 = vector.shape_cast %parallel_loop3A_429 : vector<1x1x16xf32> to vector<16xf32>
        %parallel_loop3A_431 = vector.shape_cast %parallel_loop3A_424 : vector<16xf32> to vector<1x1x16xf32>
        tpu.vector_store %arg7[%parallel_loop3A_426, %parallel_loop3A_427, %parallel_loop3A_428], %parallel_loop3A_431 {strides = array<i32>} : memref<4x104x128xf32, #tpu.memory_space<vmem>>, vector<1x1x16xf32>,
        %parallel_loop3A_432 = arith.constant 0 : i32
        %parallel_loop3A_433 = arith.index_cast %parallel_loop3A_432 : i32 to index
        %parallel_loop3A_434 = arith.index_cast %parallel_loop3A_411 : i32 to index
        %parallel_loop3A_435 = arith.constant 16 : index
        %parallel_loop3A_436 = tpu.vector_load %arg7[%parallel_loop3A_433, %parallel_loop3A_434, %parallel_loop3A_435] {strides = array<i32>} : memref<4x104x128xf32, #tpu.memory_space<vmem>>, vector<1x1x16xf32>,
        %parallel_loop3A_437 = vector.shape_cast %parallel_loop3A_436 : vector<1x1x16xf32> to vector<16xf32>
        %parallel_loop3A_438 = arith.constant 0 : i32
        %parallel_loop3A_439 = arith.addi %parallel_loop3A_438, %parallel_loop3A_411 : i32
        %parallel_loop3A_440 = arith.index_cast %parallel_loop3A_439 : i32 to index
        %parallel_loop3A_441 = arith.constant 16 : index
        %parallel_loop3A_442 = tpu.vector_load %arg8[%parallel_loop3A_440, %parallel_loop3A_441] {strides = array<i32>} : memref<200x128xf32, #tpu.memory_space<vmem>>, vector<1x16xf32>,
        %parallel_loop3A_443 = vector.shape_cast %parallel_loop3A_442 : vector<1x16xf32> to vector<16xf32>
        %parallel_loop3A_444 = arith.addf %parallel_loop3A_437, %parallel_loop3A_443 : vector<16xf32>
        %parallel_loop3A_445 = arith.constant 0 : i32
        %parallel_loop3A_446 = arith.index_cast %parallel_loop3A_445 : i32 to index
        %parallel_loop3A_447 = arith.index_cast %parallel_loop3A_411 : i32 to index
        %parallel_loop3A_448 = arith.constant 16 : index
        %parallel_loop3A_449 = tpu.vector_load %arg7[%parallel_loop3A_446, %parallel_loop3A_447, %parallel_loop3A_448] {strides = array<i32>} : memref<4x104x128xf32, #tpu.memory_space<vmem>>, vector<1x1x16xf32>,
        %parallel_loop3A_450 = vector.shape_cast %parallel_loop3A_449 : vector<1x1x16xf32> to vector<16xf32>
        %parallel_loop3A_451 = vector.shape_cast %parallel_loop3A_444 : vector<16xf32> to vector<1x1x16xf32>
        tpu.vector_store %arg7[%parallel_loop3A_446, %parallel_loop3A_447, %parallel_loop3A_448], %parallel_loop3A_451 {strides = array<i32>} : memref<4x104x128xf32, #tpu.memory_space<vmem>>, vector<1x1x16xf32>,
        %parallel_loop3A_452 = arith.constant 0 : i32
        %parallel_loop3A_453 = arith.index_cast %parallel_loop3A_452 : i32 to index
        %parallel_loop3A_454 = arith.index_cast %parallel_loop3A_411 : i32 to index
        %parallel_loop3A_455 = arith.constant 32 : index
        %parallel_loop3A_456 = tpu.vector_load %arg7[%parallel_loop3A_453, %parallel_loop3A_454, %parallel_loop3A_455] {strides = array<i32>} : memref<4x104x128xf32, #tpu.memory_space<vmem>>, vector<1x1x16xf32>,
        %parallel_loop3A_457 = vector.shape_cast %parallel_loop3A_456 : vector<1x1x16xf32> to vector<16xf32>
        %parallel_loop3A_458 = arith.constant 0 : i32
        %parallel_loop3A_459 = arith.addi %parallel_loop3A_458, %parallel_loop3A_411 : i32
        %parallel_loop3A_460 = arith.index_cast %parallel_loop3A_459 : i32 to index
        %parallel_loop3A_461 = arith.constant 32 : index
        %parallel_loop3A_462 = tpu.vector_load %arg8[%parallel_loop3A_460, %parallel_loop3A_461] {strides = array<i32>} : memref<200x128xf32, #tpu.memory_space<vmem>>, vector<1x16xf32>,
        %parallel_loop3A_463 = vector.shape_cast %parallel_loop3A_462 : vector<1x16xf32> to vector<16xf32>
        %parallel_loop3A_464 = arith.addf %parallel_loop3A_457, %parallel_loop3A_463 : vector<16xf32>
        %parallel_loop3A_465 = arith.constant 0 : i32
        %parallel_loop3A_466 = arith.index_cast %parallel_loop3A_465 : i32 to index
        %parallel_loop3A_467 = arith.index_cast %parallel_loop3A_411 : i32 to index
        %parallel_loop3A_468 = arith.constant 32 : index
        %parallel_loop3A_469 = tpu.vector_load %arg7[%parallel_loop3A_466, %parallel_loop3A_467, %parallel_loop3A_468] {strides = array<i32>} : memref<4x104x128xf32, #tpu.memory_space<vmem>>, vector<1x1x16xf32>,
        %parallel_loop3A_470 = vector.shape_cast %parallel_loop3A_469 : vector<1x1x16xf32> to vector<16xf32>
        %parallel_loop3A_471 = vector.shape_cast %parallel_loop3A_464 : vector<16xf32> to vector<1x1x16xf32>
        tpu.vector_store %arg7[%parallel_loop3A_466, %parallel_loop3A_467, %parallel_loop3A_468], %parallel_loop3A_471 {strides = array<i32>} : memref<4x104x128xf32, #tpu.memory_space<vmem>>, vector<1x1x16xf32>,
        %parallel_loop3A_472 = arith.constant 0 : i32
        %parallel_loop3A_473 = arith.index_cast %parallel_loop3A_472 : i32 to index
        %parallel_loop3A_474 = arith.index_cast %parallel_loop3A_411 : i32 to index
        %parallel_loop3A_475 = arith.constant 48 : index
        %parallel_loop3A_476 = tpu.vector_load %arg7[%parallel_loop3A_473, %parallel_loop3A_474, %parallel_loop3A_475] {strides = array<i32>} : memref<4x104x128xf32, #tpu.memory_space<vmem>>, vector<1x1x16xf32>,
        %parallel_loop3A_477 = vector.shape_cast %parallel_loop3A_476 : vector<1x1x16xf32> to vector<16xf32>
        %parallel_loop3A_478 = arith.constant 0 : i32
        %parallel_loop3A_479 = arith.addi %parallel_loop3A_478, %parallel_loop3A_411 : i32
        %parallel_loop3A_480 = arith.index_cast %parallel_loop3A_479 : i32 to index
        %parallel_loop3A_481 = arith.constant 48 : index
        %parallel_loop3A_482 = tpu.vector_load %arg8[%parallel_loop3A_480, %parallel_loop3A_481] {strides = array<i32>} : memref<200x128xf32, #tpu.memory_space<vmem>>, vector<1x16xf32>,
        %parallel_loop3A_483 = vector.shape_cast %parallel_loop3A_482 : vector<1x16xf32> to vector<16xf32>
        %parallel_loop3A_484 = arith.addf %parallel_loop3A_477, %parallel_loop3A_483 : vector<16xf32>
        %parallel_loop3A_485 = arith.constant 0 : i32
        %parallel_loop3A_486 = arith.index_cast %parallel_loop3A_485 : i32 to index
        %parallel_loop3A_487 = arith.index_cast %parallel_loop3A_411 : i32 to index
        %parallel_loop3A_488 = arith.constant 48 : index
        %parallel_loop3A_489 = tpu.vector_load %arg7[%parallel_loop3A_486, %parallel_loop3A_487, %parallel_loop3A_488] {strides = array<i32>} : memref<4x104x128xf32, #tpu.memory_space<vmem>>, vector<1x1x16xf32>,
        %parallel_loop3A_490 = vector.shape_cast %parallel_loop3A_489 : vector<1x1x16xf32> to vector<16xf32>
        %parallel_loop3A_491 = vector.shape_cast %parallel_loop3A_484 : vector<16xf32> to vector<1x1x16xf32>
        tpu.vector_store %arg7[%parallel_loop3A_486, %parallel_loop3A_487, %parallel_loop3A_488], %parallel_loop3A_491 {strides = array<i32>} : memref<4x104x128xf32, #tpu.memory_space<vmem>>, vector<1x1x16xf32>,
        %parallel_loop3A_492 = arith.constant 0 : i32
        %parallel_loop3A_493 = arith.index_cast %parallel_loop3A_492 : i32 to index
        %parallel_loop3A_494 = arith.index_cast %parallel_loop3A_411 : i32 to index
        %parallel_loop3A_495 = arith.constant 64 : index
        %parallel_loop3A_496 = tpu.vector_load %arg7[%parallel_loop3A_493, %parallel_loop3A_494, %parallel_loop3A_495] {strides = array<i32>} : memref<4x104x128xf32, #tpu.memory_space<vmem>>, vector<1x1x16xf32>,
        %parallel_loop3A_497 = vector.shape_cast %parallel_loop3A_496 : vector<1x1x16xf32> to vector<16xf32>
        %parallel_loop3A_498 = arith.constant 0 : i32
        %parallel_loop3A_499 = arith.addi %parallel_loop3A_498, %parallel_loop3A_411 : i32
        %parallel_loop3A_500 = arith.index_cast %parallel_loop3A_499 : i32 to index
        %parallel_loop3A_501 = arith.constant 64 : index
        %parallel_loop3A_502 = tpu.vector_load %arg8[%parallel_loop3A_500, %parallel_loop3A_501] {strides = array<i32>} : memref<200x128xf32, #tpu.memory_space<vmem>>, vector<1x16xf32>,
        %parallel_loop3A_503 = vector.shape_cast %parallel_loop3A_502 : vector<1x16xf32> to vector<16xf32>
        %parallel_loop3A_504 = arith.addf %parallel_loop3A_497, %parallel_loop3A_503 : vector<16xf32>
        %parallel_loop3A_505 = arith.constant 0 : i32
        %parallel_loop3A_506 = arith.index_cast %parallel_loop3A_505 : i32 to index
        %parallel_loop3A_507 = arith.index_cast %parallel_loop3A_411 : i32 to index
        %parallel_loop3A_508 = arith.constant 64 : index
        %parallel_loop3A_509 = tpu.vector_load %arg7[%parallel_loop3A_506, %parallel_loop3A_507, %parallel_loop3A_508] {strides = array<i32>} : memref<4x104x128xf32, #tpu.memory_space<vmem>>, vector<1x1x16xf32>,
        %parallel_loop3A_510 = vector.shape_cast %parallel_loop3A_509 : vector<1x1x16xf32> to vector<16xf32>
        %parallel_loop3A_511 = vector.shape_cast %parallel_loop3A_504 : vector<16xf32> to vector<1x1x16xf32>
        tpu.vector_store %arg7[%parallel_loop3A_506, %parallel_loop3A_507, %parallel_loop3A_508], %parallel_loop3A_511 {strides = array<i32>} : memref<4x104x128xf32, #tpu.memory_space<vmem>>, vector<1x1x16xf32>,
        %parallel_loop3A_512 = arith.constant 0 : i32
        %parallel_loop3A_513 = arith.index_cast %parallel_loop3A_512 : i32 to index
        %parallel_loop3A_514 = arith.index_cast %parallel_loop3A_411 : i32 to index
        %parallel_loop3A_515 = arith.constant 80 : index
        %parallel_loop3A_516 = tpu.vector_load %arg7[%parallel_loop3A_513, %parallel_loop3A_514, %parallel_loop3A_515] {strides = array<i32>} : memref<4x104x128xf32, #tpu.memory_space<vmem>>, vector<1x1x16xf32>,
        %parallel_loop3A_517 = vector.shape_cast %parallel_loop3A_516 : vector<1x1x16xf32> to vector<16xf32>
        %parallel_loop3A_518 = arith.constant 0 : i32
        %parallel_loop3A_519 = arith.addi %parallel_loop3A_518, %parallel_loop3A_411 : i32
        %parallel_loop3A_520 = arith.index_cast %parallel_loop3A_519 : i32 to index
        %parallel_loop3A_521 = arith.constant 80 : index
        %parallel_loop3A_522 = tpu.vector_load %arg8[%parallel_loop3A_520, %parallel_loop3A_521] {strides = array<i32>} : memref<200x128xf32, #tpu.memory_space<vmem>>, vector<1x16xf32>,
        %parallel_loop3A_523 = vector.shape_cast %parallel_loop3A_522 : vector<1x16xf32> to vector<16xf32>
        %parallel_loop3A_524 = arith.addf %parallel_loop3A_517, %parallel_loop3A_523 : vector<16xf32>
        %parallel_loop3A_525 = arith.constant 0 : i32
        %parallel_loop3A_526 = arith.index_cast %parallel_loop3A_525 : i32 to index
        %parallel_loop3A_527 = arith.index_cast %parallel_loop3A_411 : i32 to index
        %parallel_loop3A_528 = arith.constant 80 : index
        %parallel_loop3A_529 = tpu.vector_load %arg7[%parallel_loop3A_526, %parallel_loop3A_527, %parallel_loop3A_528] {strides = array<i32>} : memref<4x104x128xf32, #tpu.memory_space<vmem>>, vector<1x1x16xf32>,
        %parallel_loop3A_530 = vector.shape_cast %parallel_loop3A_529 : vector<1x1x16xf32> to vector<16xf32>
        %parallel_loop3A_531 = vector.shape_cast %parallel_loop3A_524 : vector<16xf32> to vector<1x1x16xf32>
        tpu.vector_store %arg7[%parallel_loop3A_526, %parallel_loop3A_527, %parallel_loop3A_528], %parallel_loop3A_531 {strides = array<i32>} : memref<4x104x128xf32, #tpu.memory_space<vmem>>, vector<1x1x16xf32>,
        %parallel_loop3A_532 = arith.constant 0 : i32
        %parallel_loop3A_533 = arith.index_cast %parallel_loop3A_532 : i32 to index
        %parallel_loop3A_534 = arith.index_cast %parallel_loop3A_411 : i32 to index
        %parallel_loop3A_535 = arith.constant 96 : index
        %parallel_loop3A_536 = tpu.vector_load %arg7[%parallel_loop3A_533, %parallel_loop3A_534, %parallel_loop3A_535] {strides = array<i32>} : memref<4x104x128xf32, #tpu.memory_space<vmem>>, vector<1x1x16xf32>,
        %parallel_loop3A_537 = vector.shape_cast %parallel_loop3A_536 : vector<1x1x16xf32> to vector<16xf32>
        %parallel_loop3A_538 = arith.constant 0 : i32
        %parallel_loop3A_539 = arith.addi %parallel_loop3A_538, %parallel_loop3A_411 : i32
        %parallel_loop3A_540 = arith.index_cast %parallel_loop3A_539 : i32 to index
        %parallel_loop3A_541 = arith.constant 96 : index
        %parallel_loop3A_542 = tpu.vector_load %arg8[%parallel_loop3A_540, %parallel_loop3A_541] {strides = array<i32>} : memref<200x128xf32, #tpu.memory_space<vmem>>, vector<1x16xf32>,
        %parallel_loop3A_543 = vector.shape_cast %parallel_loop3A_542 : vector<1x16xf32> to vector<16xf32>
        %parallel_loop3A_544 = arith.addf %parallel_loop3A_537, %parallel_loop3A_543 : vector<16xf32>
        %parallel_loop3A_545 = arith.constant 0 : i32
        %parallel_loop3A_546 = arith.index_cast %parallel_loop3A_545 : i32 to index
        %parallel_loop3A_547 = arith.index_cast %parallel_loop3A_411 : i32 to index
        %parallel_loop3A_548 = arith.constant 96 : index
        %parallel_loop3A_549 = tpu.vector_load %arg7[%parallel_loop3A_546, %parallel_loop3A_547, %parallel_loop3A_548] {strides = array<i32>} : memref<4x104x128xf32, #tpu.memory_space<vmem>>, vector<1x1x16xf32>,
        %parallel_loop3A_550 = vector.shape_cast %parallel_loop3A_549 : vector<1x1x16xf32> to vector<16xf32>
        %parallel_loop3A_551 = vector.shape_cast %parallel_loop3A_544 : vector<16xf32> to vector<1x1x16xf32>
        tpu.vector_store %arg7[%parallel_loop3A_546, %parallel_loop3A_547, %parallel_loop3A_548], %parallel_loop3A_551 {strides = array<i32>} : memref<4x104x128xf32, #tpu.memory_space<vmem>>, vector<1x1x16xf32>,
        %parallel_loop3A_552 = arith.constant 0 : i32
        %parallel_loop3A_553 = arith.index_cast %parallel_loop3A_552 : i32 to index
        %parallel_loop3A_554 = arith.index_cast %parallel_loop3A_411 : i32 to index
        %parallel_loop3A_555 = arith.constant 112 : index
        %parallel_loop3A_556 = tpu.vector_load %arg7[%parallel_loop3A_553, %parallel_loop3A_554, %parallel_loop3A_555] {strides = array<i32>} : memref<4x104x128xf32, #tpu.memory_space<vmem>>, vector<1x1x16xf32>,
        %parallel_loop3A_557 = vector.shape_cast %parallel_loop3A_556 : vector<1x1x16xf32> to vector<16xf32>
        %parallel_loop3A_558 = arith.constant 0 : i32
        %parallel_loop3A_559 = arith.addi %parallel_loop3A_558, %parallel_loop3A_411 : i32
        %parallel_loop3A_560 = arith.index_cast %parallel_loop3A_559 : i32 to index
        %parallel_loop3A_561 = arith.constant 112 : index
        %parallel_loop3A_562 = tpu.vector_load %arg8[%parallel_loop3A_560, %parallel_loop3A_561] {strides = array<i32>} : memref<200x128xf32, #tpu.memory_space<vmem>>, vector<1x16xf32>,
        %parallel_loop3A_563 = vector.shape_cast %parallel_loop3A_562 : vector<1x16xf32> to vector<16xf32>
        %parallel_loop3A_564 = arith.addf %parallel_loop3A_557, %parallel_loop3A_563 : vector<16xf32>
        %parallel_loop3A_565 = arith.constant 0 : i32
        %parallel_loop3A_566 = arith.index_cast %parallel_loop3A_565 : i32 to index
        %parallel_loop3A_567 = arith.index_cast %parallel_loop3A_411 : i32 to index
        %parallel_loop3A_568 = arith.constant 112 : index
        %parallel_loop3A_569 = tpu.vector_load %arg7[%parallel_loop3A_566, %parallel_loop3A_567, %parallel_loop3A_568] {strides = array<i32>} : memref<4x104x128xf32, #tpu.memory_space<vmem>>, vector<1x1x16xf32>,
        %parallel_loop3A_570 = vector.shape_cast %parallel_loop3A_569 : vector<1x1x16xf32> to vector<16xf32>
        %parallel_loop3A_571 = vector.shape_cast %parallel_loop3A_564 : vector<16xf32> to vector<1x1x16xf32>
        tpu.vector_store %arg7[%parallel_loop3A_566, %parallel_loop3A_567, %parallel_loop3A_568], %parallel_loop3A_571 {strides = array<i32>} : memref<4x104x128xf32, #tpu.memory_space<vmem>>, vector<1x1x16xf32>,
      } {sc.loop_unroll_factor = 4 : i64, sc.parallel_access}
      %mul3A_182 = arith.constant 2 : i32
      %mul3A_183 = arith.muli %mul3A_182, %scan3A_154 : i32
      %add3A_184 = arith.addi %mul3A_4, %mul3A_183 : i32
      %add3A_185 = arith.constant 0 : i32
      %add3A_186 = arith.addi %add3A_184, %add3A_185 : i32
      %dma_start3A_187 = arith.constant 0 : i32
      %dma_start3A_188 = arith.constant 0 : i32
      %dma_start3A_189 = arith.constant 0 : i32
      %dma_start3A_190 = tpu.memref_slice %arg7[%dma_start3A_187, %dma_start3A_188, %dma_start3A_189] : memref<4x104x128xf32, #tpu.memory_space<vmem>> -> memref<1x104x128xf32, #tpu.memory_space<vmem>>
      %dma_start3A_191 = tpu.memref_squeeze %dma_start3A_190 : memref<1x104x128xf32, #tpu.memory_space<vmem>> -> memref<104x128xf32, #tpu.memory_space<vmem>>
      %dma_start3A_192 = arith.constant 0 : i32
      %dma_start3A_193 = arith.constant 0 : i32
      %dma_start3A_194 = tpu.memref_slice %dma_start3A_191[%dma_start3A_192, %dma_start3A_193] : memref<104x128xf32, #tpu.memory_space<vmem>> -> memref<96x128xf32, #tpu.memory_space<vmem>>
      %dma_start3A_195 = arith.constant 0 : i32
      %dma_start3A_196 = arith.constant 0 : i32
      %dma_start3A_197 = tpu.memref_slice %arg5[%add3A_186, %dma_start3A_195, %dma_start3A_196] : memref<4096x200x128xf32, #tpu.memory_space<hbm>> -> memref<1x200x128xf32, #tpu.memory_space<hbm>>
      %dma_start3A_198 = tpu.memref_squeeze %dma_start3A_197 : memref<1x200x128xf32, #tpu.memory_space<hbm>> -> memref<200x128xf32, #tpu.memory_space<hbm>>
      %dma_start3A_199 = arith.constant 0 : i32
      %dma_start3A_200 = arith.constant 0 : i32
      %dma_start3A_201 = tpu.memref_slice %dma_start3A_198[%dma_start3A_199, %dma_start3A_200] : memref<200x128xf32, #tpu.memory_space<hbm>> -> memref<96x128xf32, #tpu.memory_space<hbm>>
      %dma_start3A_202 = arith.constant 0 : i32
      %dma_start3A_203 = arith.constant 0 : i32
      %dma_start3A_204 = tpu.memref_slice %arg5[%add3A_186, %dma_start3A_202, %dma_start3A_203] : memref<4096x200x128xf32, #tpu.memory_space<hbm>> -> memref<1x200x128xf32, #tpu.memory_space<hbm>>
      %dma_start3A_205 = tpu.memref_squeeze %dma_start3A_204 : memref<1x200x128xf32, #tpu.memory_space<hbm>> -> memref<200x128xf32, #tpu.memory_space<hbm>>
      %dma_start3A_206 = arith.constant 0 : i32
      %dma_start3A_207 = arith.constant 0 : i32
      %dma_start3A_208 = tpu.memref_slice %dma_start3A_205[%dma_start3A_206, %dma_start3A_207] : memref<200x128xf32, #tpu.memory_space<hbm>> -> memref<96x128xf32, #tpu.memory_space<hbm>>
      %dma_start3A_209 = arith.constant 0 : i32
      %dma_start3A_210 = arith.constant 0 : i32
      %dma_start3A_211 = tpu.memref_slice %arg7[%dma_start3A_187, %dma_start3A_209, %dma_start3A_210] : memref<4x104x128xf32, #tpu.memory_space<vmem>> -> memref<1x104x128xf32, #tpu.memory_space<vmem>>
      %dma_start3A_212 = tpu.memref_squeeze %dma_start3A_211 : memref<1x104x128xf32, #tpu.memory_space<vmem>> -> memref<104x128xf32, #tpu.memory_space<vmem>>
      %dma_start3A_213 = arith.constant 0 : i32
      %dma_start3A_214 = arith.constant 0 : i32
      %dma_start3A_215 = tpu.memref_slice %dma_start3A_212[%dma_start3A_213, %dma_start3A_214] : memref<104x128xf32, #tpu.memory_space<vmem>> -> memref<96x128xf32, #tpu.memory_space<vmem>>
      tpu.enqueue_dma source(%dma_start3A_215 : memref<96x128xf32, #tpu.memory_space<vmem>>) target(%dma_start3A_208 : memref<96x128xf32, #tpu.memory_space<hbm>>) target_semaphore(%arg13 : memref<!tpu.dma_semaphore, #tpu.memory_space<semaphore_mem>>)
      %mul3A_216 = arith.constant 4 : i32
      %mul3A_217 = arith.muli %mul3A_216, %scan3A_154 : i32
      %add3A_218 = arith.constant 1 : i32
      %add3A_219 = arith.addi %mul3A_217, %add3A_218 : i32
      %add3A_220 = arith.constant 2 : i32
      %add3A_221 = arith.addi %add3A_219, %add3A_220 : i32
      %lt3A_222 = arith.constant 256 : i32
      %lt3A_223 = arith.cmpi slt, %add3A_221, %lt3A_222 : i32
      %ge3A_224 = arith.constant 1 : i32
      %ge3A_225 = arith.cmpi sge, %scan3A_154, %ge3A_224 : i32
      %and3A_226 = arith.andi %lt3A_223, %ge3A_225 : i1
      %convert_element_type3A_227 = arith.extui %and3A_226 : i1 to i32
      %cond3A_228 = arith.constant 0 : i32
      %cond3A_229 = arith.cmpi ne, %convert_element_type3A_227, %cond3A_228 : i32
      scf.if %cond3A_229 {
        %dma_wait3A_411 = arith.constant 3 : i32
        %dma_wait3A_412 = arith.constant 0 : i32
        %dma_wait3A_413 = arith.constant 0 : i32
        %dma_wait3A_414 = arith.constant 0 : i32
        %dma_wait3A_415 = tpu.memref_slice %arg7[%dma_wait3A_411, %dma_wait3A_413, %dma_wait3A_414] : memref<4x104x128xf32, #tpu.memory_space<vmem>> -> memref<1x104x128xf32, #tpu.memory_space<vmem>>
        %dma_wait3A_416 = tpu.memref_squeeze %dma_wait3A_415 : memref<1x104x128xf32, #tpu.memory_space<vmem>> -> memref<104x128xf32, #tpu.memory_space<vmem>>
        %dma_wait3A_417 = arith.constant 0 : i32
        %dma_wait3A_418 = arith.constant 0 : i32
        %dma_wait3A_419 = tpu.memref_slice %dma_wait3A_416[%dma_wait3A_417, %dma_wait3A_418] : memref<104x128xf32, #tpu.memory_space<vmem>> -> memref<104x128xf32, #tpu.memory_space<vmem>>
        %dma_wait3A_420 = arith.constant 0 : i32
        %dma_wait3A_421 = arith.constant 0 : i32
        %dma_wait3A_422 = tpu.memref_slice %arg5[%dma_wait3A_412, %dma_wait3A_420, %dma_wait3A_421] : memref<4096x200x128xf32, #tpu.memory_space<hbm>> -> memref<1x200x128xf32, #tpu.memory_space<hbm>>
        %dma_wait3A_423 = tpu.memref_squeeze %dma_wait3A_422 : memref<1x200x128xf32, #tpu.memory_space<hbm>> -> memref<200x128xf32, #tpu.memory_space<hbm>>
        %dma_wait3A_424 = arith.constant 0 : i32
        %dma_wait3A_425 = arith.constant 0 : i32
        %dma_wait3A_426 = tpu.memref_slice %dma_wait3A_423[%dma_wait3A_424, %dma_wait3A_425] : memref<200x128xf32, #tpu.memory_space<hbm>> -> memref<104x128xf32, #tpu.memory_space<hbm>>
        %dma_wait3A_427 = arith.constant 0 : i32
        %dma_wait3A_428 = arith.constant 0 : i32
        %dma_wait3A_429 = tpu.memref_slice %arg5[%dma_wait3A_412, %dma_wait3A_427, %dma_wait3A_428] : memref<4096x200x128xf32, #tpu.memory_space<hbm>> -> memref<1x200x128xf32, #tpu.memory_space<hbm>>
        %dma_wait3A_430 = tpu.memref_squeeze %dma_wait3A_429 : memref<1x200x128xf32, #tpu.memory_space<hbm>> -> memref<200x128xf32, #tpu.memory_space<hbm>>
        %dma_wait3A_431 = arith.constant 0 : i32
        %dma_wait3A_432 = arith.constant 0 : i32
        %dma_wait3A_433 = tpu.memref_slice %dma_wait3A_430[%dma_wait3A_431, %dma_wait3A_432] : memref<200x128xf32, #tpu.memory_space<hbm>> -> memref<104x128xf32, #tpu.memory_space<hbm>>
        %dma_wait3A_434 = arith.constant 0 : i32
        %dma_wait3A_435 = arith.constant 0 : i32
        %dma_wait3A_436 = tpu.memref_slice %arg7[%dma_wait3A_411, %dma_wait3A_434, %dma_wait3A_435] : memref<4x104x128xf32, #tpu.memory_space<vmem>> -> memref<1x104x128xf32, #tpu.memory_space<vmem>>
        %dma_wait3A_437 = tpu.memref_squeeze %dma_wait3A_436 : memref<1x104x128xf32, #tpu.memory_space<vmem>> -> memref<104x128xf32, #tpu.memory_space<vmem>>
        %dma_wait3A_438 = arith.constant 0 : i32
        %dma_wait3A_439 = arith.constant 0 : i32
        %dma_wait3A_440 = tpu.memref_slice %dma_wait3A_437[%dma_wait3A_438, %dma_wait3A_439] : memref<104x128xf32, #tpu.memory_space<vmem>> -> memref<104x128xf32, #tpu.memory_space<vmem>>
        tpu.wait_dma2 semaphore(%arg16 : memref<!tpu.dma_semaphore, #tpu.memory_space<semaphore_mem>>) src(%dma_wait3A_440 : memref<104x128xf32, #tpu.memory_space<vmem>>) dst(%dma_wait3A_433 : memref<104x128xf32, #tpu.memory_space<hbm>>)
      } else {
      }
      %convert_element_type3A_230 = arith.extui %lt3A_223 : i1 to i32
      %cond3A_231 = arith.constant 0 : i32
      %cond3A_232 = arith.cmpi ne, %convert_element_type3A_230, %cond3A_231 : i32
      scf.if %cond3A_232 {
        %add3A_411 = arith.constant 0 : i32
        %add3A_412 = arith.addi %scan3A_154, %add3A_411 : i32
        %mul3A_413 = arith.constant 2 : i32
        %mul3A_414 = arith.muli %mul3A_413, %add3A_412 : i32
        %add3A_415 = arith.constant 1 : i32
        %add3A_416 = arith.addi %mul3A_414, %add3A_415 : i32
        %mul3A_417 = arith.constant 200 : i32
        %mul3A_418 = arith.muli %add3A_416, %mul3A_417 : i32
        %add3A_419 = arith.constant 96 : i32
        %add3A_420 = arith.addi %mul3A_418, %add3A_419 : i32
        %dma_start3A_421 = arith.constant 3 : i32
        %dma_start3A_422 = arith.constant 0 : i32
        %dma_start3A_423 = arith.constant 0 : i32
        %dma_start3A_424 = tpu.memref_slice %arg7[%dma_start3A_421, %dma_start3A_422, %dma_start3A_423] : memref<4x104x128xf32, #tpu.memory_space<vmem>> -> memref<1x104x128xf32, #tpu.memory_space<vmem>>
        %dma_start3A_425 = tpu.memref_squeeze %dma_start3A_424 : memref<1x104x128xf32, #tpu.memory_space<vmem>> -> memref<104x128xf32, #tpu.memory_space<vmem>>
        %dma_start3A_426 = arith.constant 0 : i32
        %dma_start3A_427 = arith.constant 0 : i32
        %dma_start3A_428 = tpu.memref_slice %dma_start3A_425[%dma_start3A_426, %dma_start3A_427] : memref<104x128xf32, #tpu.memory_space<vmem>> -> memref<104x128xf32, #tpu.memory_space<vmem>>
        %dma_start3A_429 = tpu.memref_slice %arg6[%add3A_420] : memref<25600xi32, #tpu.memory_space<vmem>> -> memref<104xi32, #tpu.memory_space<vmem>>
        %dma_start3A_430 = arith.constant 0 : i32
        %dma_start3A_431 = arith.constant 0 : i32
        %dma_start3A_432 = tpu.memref_slice %arg3[%dma_start3A_430, %dma_start3A_431] : memref<100000x128xf32, #tpu.memory_space<hbm>> -> memref<100000x128xf32, #tpu.memory_space<hbm>>
        tpu.enqueue_indirect_dma source(%dma_start3A_432 : memref<100000x128xf32, #tpu.memory_space<hbm>>) target(%dma_start3A_428 : memref<104x128xf32, #tpu.memory_space<vmem>>) offsets(%dma_start3A_429 : memref<104xi32, #tpu.memory_space<vmem>>) semaphore(%arg12 : memref<!tpu.dma_semaphore, #tpu.memory_space<semaphore_mem>>)
      } else {
      }
      %dma_wait3A_233 = arith.constant 1 : i32
      %dma_wait3A_234 = arith.constant 0 : i32
      %dma_wait3A_235 = arith.constant 0 : i32
      %dma_wait3A_236 = tpu.memref_slice %arg7[%dma_wait3A_233, %dma_wait3A_234, %dma_wait3A_235] : memref<4x104x128xf32, #tpu.memory_space<vmem>> -> memref<1x104x128xf32, #tpu.memory_space<vmem>>
      %dma_wait3A_237 = tpu.memref_squeeze %dma_wait3A_236 : memref<1x104x128xf32, #tpu.memory_space<vmem>> -> memref<104x128xf32, #tpu.memory_space<vmem>>
      %dma_wait3A_238 = arith.constant 0 : i32
      %dma_wait3A_239 = arith.constant 0 : i32
      %dma_wait3A_240 = tpu.memref_slice %dma_wait3A_237[%dma_wait3A_238, %dma_wait3A_239] : memref<104x128xf32, #tpu.memory_space<vmem>> -> memref<104x128xf32, #tpu.memory_space<vmem>>
      %dma_wait3A_241 = arith.constant 0 : i32
      %dma_wait3A_242 = tpu.memref_slice %arg6[%dma_wait3A_241] : memref<25600xi32, #tpu.memory_space<vmem>> -> memref<104xi32, #tpu.memory_space<vmem>>
      %dma_wait3A_243 = arith.constant 0 : i32
      %dma_wait3A_244 = arith.constant 0 : i32
      %dma_wait3A_245 = tpu.memref_slice %arg3[%dma_wait3A_243, %dma_wait3A_244] : memref<100000x128xf32, #tpu.memory_space<hbm>> -> memref<100000x128xf32, #tpu.memory_space<hbm>>
      tpu.wait_indirect_dma semaphore(%arg10 : memref<!tpu.dma_semaphore, #tpu.memory_space<semaphore_mem>>) src(%dma_wait3A_245 : memref<100000x128xf32, #tpu.memory_space<hbm>>) dst(%dma_wait3A_240 : memref<104x128xf32, #tpu.memory_space<vmem>>)
      %parallel_loop3A_246 = arith.constant 0 : i32
      %parallel_loop3A_247 = arith.constant 104 : i32
      %parallel_loop3A_248 = arith.constant 1 : i32
      scf.for %parallel_loop3A_411 = %parallel_loop3A_246 to %parallel_loop3A_247 step %parallel_loop3A_248  : i32 {
        %parallel_loop3A_412 = arith.constant 1 : i32
        %parallel_loop3A_413 = arith.index_cast %parallel_loop3A_412 : i32 to index
        %parallel_loop3A_414 = arith.index_cast %parallel_loop3A_411 : i32 to index
        %parallel_loop3A_415 = arith.constant 0 : index
        %parallel_loop3A_416 = tpu.vector_load %arg7[%parallel_loop3A_413, %parallel_loop3A_414, %parallel_loop3A_415] {strides = array<i32>} : memref<4x104x128xf32, #tpu.memory_space<vmem>>, vector<1x1x16xf32>,
        %parallel_loop3A_417 = vector.shape_cast %parallel_loop3A_416 : vector<1x1x16xf32> to vector<16xf32>
        %parallel_loop3A_418 = arith.constant 96 : i32
        %parallel_loop3A_419 = arith.addi %parallel_loop3A_418, %parallel_loop3A_411 : i32
        %parallel_loop3A_420 = arith.index_cast %parallel_loop3A_419 : i32 to index
        %parallel_loop3A_421 = arith.constant 0 : index
        %parallel_loop3A_422 = tpu.vector_load %arg8[%parallel_loop3A_420, %parallel_loop3A_421] {strides = array<i32>} : memref<200x128xf32, #tpu.memory_space<vmem>>, vector<1x16xf32>,
        %parallel_loop3A_423 = vector.shape_cast %parallel_loop3A_422 : vector<1x16xf32> to vector<16xf32>
        %parallel_loop3A_424 = arith.addf %parallel_loop3A_417, %parallel_loop3A_423 : vector<16xf32>
        %parallel_loop3A_425 = arith.constant 1 : i32
        %parallel_loop3A_426 = arith.index_cast %parallel_loop3A_425 : i32 to index
        %parallel_loop3A_427 = arith.index_cast %parallel_loop3A_411 : i32 to index
        %parallel_loop3A_428 = arith.constant 0 : index
        %parallel_loop3A_429 = tpu.vector_load %arg7[%parallel_loop3A_426, %parallel_loop3A_427, %parallel_loop3A_428] {strides = array<i32>} : memref<4x104x128xf32, #tpu.memory_space<vmem>>, vector<1x1x16xf32>,
        %parallel_loop3A_430 = vector.shape_cast %parallel_loop3A_429 : vector<1x1x16xf32> to vector<16xf32>
        %parallel_loop3A_431 = vector.shape_cast %parallel_loop3A_424 : vector<16xf32> to vector<1x1x16xf32>
        tpu.vector_store %arg7[%parallel_loop3A_426, %parallel_loop3A_427, %parallel_loop3A_428], %parallel_loop3A_431 {strides = array<i32>} : memref<4x104x128xf32, #tpu.memory_space<vmem>>, vector<1x1x16xf32>,
        %parallel_loop3A_432 = arith.constant 1 : i32
        %parallel_loop3A_433 = arith.index_cast %parallel_loop3A_432 : i32 to index
        %parallel_loop3A_434 = arith.index_cast %parallel_loop3A_411 : i32 to index
        %parallel_loop3A_435 = arith.constant 16 : index
        %parallel_loop3A_436 = tpu.vector_load %arg7[%parallel_loop3A_433, %parallel_loop3A_434, %parallel_loop3A_435] {strides = array<i32>} : memref<4x104x128xf32, #tpu.memory_space<vmem>>, vector<1x1x16xf32>,
        %parallel_loop3A_437 = vector.shape_cast %parallel_loop3A_436 : vector<1x1x16xf32> to vector<16xf32>
        %parallel_loop3A_438 = arith.constant 96 : i32
        %parallel_loop3A_439 = arith.addi %parallel_loop3A_438, %parallel_loop3A_411 : i32
        %parallel_loop3A_440 = arith.index_cast %parallel_loop3A_439 : i32 to index
        %parallel_loop3A_441 = arith.constant 16 : index
        %parallel_loop3A_442 = tpu.vector_load %arg8[%parallel_loop3A_440, %parallel_loop3A_441] {strides = array<i32>} : memref<200x128xf32, #tpu.memory_space<vmem>>, vector<1x16xf32>,
        %parallel_loop3A_443 = vector.shape_cast %parallel_loop3A_442 : vector<1x16xf32> to vector<16xf32>
        %parallel_loop3A_444 = arith.addf %parallel_loop3A_437, %parallel_loop3A_443 : vector<16xf32>
        %parallel_loop3A_445 = arith.constant 1 : i32
        %parallel_loop3A_446 = arith.index_cast %parallel_loop3A_445 : i32 to index
        %parallel_loop3A_447 = arith.index_cast %parallel_loop3A_411 : i32 to index
        %parallel_loop3A_448 = arith.constant 16 : index
        %parallel_loop3A_449 = tpu.vector_load %arg7[%parallel_loop3A_446, %parallel_loop3A_447, %parallel_loop3A_448] {strides = array<i32>} : memref<4x104x128xf32, #tpu.memory_space<vmem>>, vector<1x1x16xf32>,
        %parallel_loop3A_450 = vector.shape_cast %parallel_loop3A_449 : vector<1x1x16xf32> to vector<16xf32>
        %parallel_loop3A_451 = vector.shape_cast %parallel_loop3A_444 : vector<16xf32> to vector<1x1x16xf32>
        tpu.vector_store %arg7[%parallel_loop3A_446, %parallel_loop3A_447, %parallel_loop3A_448], %parallel_loop3A_451 {strides = array<i32>} : memref<4x104x128xf32, #tpu.memory_space<vmem>>, vector<1x1x16xf32>,
        %parallel_loop3A_452 = arith.constant 1 : i32
        %parallel_loop3A_453 = arith.index_cast %parallel_loop3A_452 : i32 to index
        %parallel_loop3A_454 = arith.index_cast %parallel_loop3A_411 : i32 to index
        %parallel_loop3A_455 = arith.constant 32 : index
        %parallel_loop3A_456 = tpu.vector_load %arg7[%parallel_loop3A_453, %parallel_loop3A_454, %parallel_loop3A_455] {strides = array<i32>} : memref<4x104x128xf32, #tpu.memory_space<vmem>>, vector<1x1x16xf32>,
        %parallel_loop3A_457 = vector.shape_cast %parallel_loop3A_456 : vector<1x1x16xf32> to vector<16xf32>
        %parallel_loop3A_458 = arith.constant 96 : i32
        %parallel_loop3A_459 = arith.addi %parallel_loop3A_458, %parallel_loop3A_411 : i32
        %parallel_loop3A_460 = arith.index_cast %parallel_loop3A_459 : i32 to index
        %parallel_loop3A_461 = arith.constant 32 : index
        %parallel_loop3A_462 = tpu.vector_load %arg8[%parallel_loop3A_460, %parallel_loop3A_461] {strides = array<i32>} : memref<200x128xf32, #tpu.memory_space<vmem>>, vector<1x16xf32>,
        %parallel_loop3A_463 = vector.shape_cast %parallel_loop3A_462 : vector<1x16xf32> to vector<16xf32>
        %parallel_loop3A_464 = arith.addf %parallel_loop3A_457, %parallel_loop3A_463 : vector<16xf32>
        %parallel_loop3A_465 = arith.constant 1 : i32
        %parallel_loop3A_466 = arith.index_cast %parallel_loop3A_465 : i32 to index
        %parallel_loop3A_467 = arith.index_cast %parallel_loop3A_411 : i32 to index
        %parallel_loop3A_468 = arith.constant 32 : index
        %parallel_loop3A_469 = tpu.vector_load %arg7[%parallel_loop3A_466, %parallel_loop3A_467, %parallel_loop3A_468] {strides = array<i32>} : memref<4x104x128xf32, #tpu.memory_space<vmem>>, vector<1x1x16xf32>,
        %parallel_loop3A_470 = vector.shape_cast %parallel_loop3A_469 : vector<1x1x16xf32> to vector<16xf32>
        %parallel_loop3A_471 = vector.shape_cast %parallel_loop3A_464 : vector<16xf32> to vector<1x1x16xf32>
        tpu.vector_store %arg7[%parallel_loop3A_466, %parallel_loop3A_467, %parallel_loop3A_468], %parallel_loop3A_471 {strides = array<i32>} : memref<4x104x128xf32, #tpu.memory_space<vmem>>, vector<1x1x16xf32>,
        %parallel_loop3A_472 = arith.constant 1 : i32
        %parallel_loop3A_473 = arith.index_cast %parallel_loop3A_472 : i32 to index
        %parallel_loop3A_474 = arith.index_cast %parallel_loop3A_411 : i32 to index
        %parallel_loop3A_475 = arith.constant 48 : index
        %parallel_loop3A_476 = tpu.vector_load %arg7[%parallel_loop3A_473, %parallel_loop3A_474, %parallel_loop3A_475] {strides = array<i32>} : memref<4x104x128xf32, #tpu.memory_space<vmem>>, vector<1x1x16xf32>,
        %parallel_loop3A_477 = vector.shape_cast %parallel_loop3A_476 : vector<1x1x16xf32> to vector<16xf32>
        %parallel_loop3A_478 = arith.constant 96 : i32
        %parallel_loop3A_479 = arith.addi %parallel_loop3A_478, %parallel_loop3A_411 : i32
        %parallel_loop3A_480 = arith.index_cast %parallel_loop3A_479 : i32 to index
        %parallel_loop3A_481 = arith.constant 48 : index
        %parallel_loop3A_482 = tpu.vector_load %arg8[%parallel_loop3A_480, %parallel_loop3A_481] {strides = array<i32>} : memref<200x128xf32, #tpu.memory_space<vmem>>, vector<1x16xf32>,
        %parallel_loop3A_483 = vector.shape_cast %parallel_loop3A_482 : vector<1x16xf32> to vector<16xf32>
        %parallel_loop3A_484 = arith.addf %parallel_loop3A_477, %parallel_loop3A_483 : vector<16xf32>
        %parallel_loop3A_485 = arith.constant 1 : i32
        %parallel_loop3A_486 = arith.index_cast %parallel_loop3A_485 : i32 to index
        %parallel_loop3A_487 = arith.index_cast %parallel_loop3A_411 : i32 to index
        %parallel_loop3A_488 = arith.constant 48 : index
        %parallel_loop3A_489 = tpu.vector_load %arg7[%parallel_loop3A_486, %parallel_loop3A_487, %parallel_loop3A_488] {strides = array<i32>} : memref<4x104x128xf32, #tpu.memory_space<vmem>>, vector<1x1x16xf32>,
        %parallel_loop3A_490 = vector.shape_cast %parallel_loop3A_489 : vector<1x1x16xf32> to vector<16xf32>
        %parallel_loop3A_491 = vector.shape_cast %parallel_loop3A_484 : vector<16xf32> to vector<1x1x16xf32>
        tpu.vector_store %arg7[%parallel_loop3A_486, %parallel_loop3A_487, %parallel_loop3A_488], %parallel_loop3A_491 {strides = array<i32>} : memref<4x104x128xf32, #tpu.memory_space<vmem>>, vector<1x1x16xf32>,
        %parallel_loop3A_492 = arith.constant 1 : i32
        %parallel_loop3A_493 = arith.index_cast %parallel_loop3A_492 : i32 to index
        %parallel_loop3A_494 = arith.index_cast %parallel_loop3A_411 : i32 to index
        %parallel_loop3A_495 = arith.constant 64 : index
        %parallel_loop3A_496 = tpu.vector_load %arg7[%parallel_loop3A_493, %parallel_loop3A_494, %parallel_loop3A_495] {strides = array<i32>} : memref<4x104x128xf32, #tpu.memory_space<vmem>>, vector<1x1x16xf32>,
        %parallel_loop3A_497 = vector.shape_cast %parallel_loop3A_496 : vector<1x1x16xf32> to vector<16xf32>
        %parallel_loop3A_498 = arith.constant 96 : i32
        %parallel_loop3A_499 = arith.addi %parallel_loop3A_498, %parallel_loop3A_411 : i32
        %parallel_loop3A_500 = arith.index_cast %parallel_loop3A_499 : i32 to index
        %parallel_loop3A_501 = arith.constant 64 : index
        %parallel_loop3A_502 = tpu.vector_load %arg8[%parallel_loop3A_500, %parallel_loop3A_501] {strides = array<i32>} : memref<200x128xf32, #tpu.memory_space<vmem>>, vector<1x16xf32>,
        %parallel_loop3A_503 = vector.shape_cast %parallel_loop3A_502 : vector<1x16xf32> to vector<16xf32>
        %parallel_loop3A_504 = arith.addf %parallel_loop3A_497, %parallel_loop3A_503 : vector<16xf32>
        %parallel_loop3A_505 = arith.constant 1 : i32
        %parallel_loop3A_506 = arith.index_cast %parallel_loop3A_505 : i32 to index
        %parallel_loop3A_507 = arith.index_cast %parallel_loop3A_411 : i32 to index
        %parallel_loop3A_508 = arith.constant 64 : index
        %parallel_loop3A_509 = tpu.vector_load %arg7[%parallel_loop3A_506, %parallel_loop3A_507, %parallel_loop3A_508] {strides = array<i32>} : memref<4x104x128xf32, #tpu.memory_space<vmem>>, vector<1x1x16xf32>,
        %parallel_loop3A_510 = vector.shape_cast %parallel_loop3A_509 : vector<1x1x16xf32> to vector<16xf32>
        %parallel_loop3A_511 = vector.shape_cast %parallel_loop3A_504 : vector<16xf32> to vector<1x1x16xf32>
        tpu.vector_store %arg7[%parallel_loop3A_506, %parallel_loop3A_507, %parallel_loop3A_508], %parallel_loop3A_511 {strides = array<i32>} : memref<4x104x128xf32, #tpu.memory_space<vmem>>, vector<1x1x16xf32>,
        %parallel_loop3A_512 = arith.constant 1 : i32
        %parallel_loop3A_513 = arith.index_cast %parallel_loop3A_512 : i32 to index
        %parallel_loop3A_514 = arith.index_cast %parallel_loop3A_411 : i32 to index
        %parallel_loop3A_515 = arith.constant 80 : index
        %parallel_loop3A_516 = tpu.vector_load %arg7[%parallel_loop3A_513, %parallel_loop3A_514, %parallel_loop3A_515] {strides = array<i32>} : memref<4x104x128xf32, #tpu.memory_space<vmem>>, vector<1x1x16xf32>,
        %parallel_loop3A_517 = vector.shape_cast %parallel_loop3A_516 : vector<1x1x16xf32> to vector<16xf32>
        %parallel_loop3A_518 = arith.constant 96 : i32
        %parallel_loop3A_519 = arith.addi %parallel_loop3A_518, %parallel_loop3A_411 : i32
        %parallel_loop3A_520 = arith.index_cast %parallel_loop3A_519 : i32 to index
        %parallel_loop3A_521 = arith.constant 80 : index
        %parallel_loop3A_522 = tpu.vector_load %arg8[%parallel_loop3A_520, %parallel_loop3A_521] {strides = array<i32>} : memref<200x128xf32, #tpu.memory_space<vmem>>, vector<1x16xf32>,
        %parallel_loop3A_523 = vector.shape_cast %parallel_loop3A_522 : vector<1x16xf32> to vector<16xf32>
        %parallel_loop3A_524 = arith.addf %parallel_loop3A_517, %parallel_loop3A_523 : vector<16xf32>
        %parallel_loop3A_525 = arith.constant 1 : i32
        %parallel_loop3A_526 = arith.index_cast %parallel_loop3A_525 : i32 to index
        %parallel_loop3A_527 = arith.index_cast %parallel_loop3A_411 : i32 to index
        %parallel_loop3A_528 = arith.constant 80 : index
        %parallel_loop3A_529 = tpu.vector_load %arg7[%parallel_loop3A_526, %parallel_loop3A_527, %parallel_loop3A_528] {strides = array<i32>} : memref<4x104x128xf32, #tpu.memory_space<vmem>>, vector<1x1x16xf32>,
        %parallel_loop3A_530 = vector.shape_cast %parallel_loop3A_529 : vector<1x1x16xf32> to vector<16xf32>
        %parallel_loop3A_531 = vector.shape_cast %parallel_loop3A_524 : vector<16xf32> to vector<1x1x16xf32>
        tpu.vector_store %arg7[%parallel_loop3A_526, %parallel_loop3A_527, %parallel_loop3A_528], %parallel_loop3A_531 {strides = array<i32>} : memref<4x104x128xf32, #tpu.memory_space<vmem>>, vector<1x1x16xf32>,
        %parallel_loop3A_532 = arith.constant 1 : i32
        %parallel_loop3A_533 = arith.index_cast %parallel_loop3A_532 : i32 to index
        %parallel_loop3A_534 = arith.index_cast %parallel_loop3A_411 : i32 to index
        %parallel_loop3A_535 = arith.constant 96 : index
        %parallel_loop3A_536 = tpu.vector_load %arg7[%parallel_loop3A_533, %parallel_loop3A_534, %parallel_loop3A_535] {strides = array<i32>} : memref<4x104x128xf32, #tpu.memory_space<vmem>>, vector<1x1x16xf32>,
        %parallel_loop3A_537 = vector.shape_cast %parallel_loop3A_536 : vector<1x1x16xf32> to vector<16xf32>
        %parallel_loop3A_538 = arith.constant 96 : i32
        %parallel_loop3A_539 = arith.addi %parallel_loop3A_538, %parallel_loop3A_411 : i32
        %parallel_loop3A_540 = arith.index_cast %parallel_loop3A_539 : i32 to index
        %parallel_loop3A_541 = arith.constant 96 : index
        %parallel_loop3A_542 = tpu.vector_load %arg8[%parallel_loop3A_540, %parallel_loop3A_541] {strides = array<i32>} : memref<200x128xf32, #tpu.memory_space<vmem>>, vector<1x16xf32>,
        %parallel_loop3A_543 = vector.shape_cast %parallel_loop3A_542 : vector<1x16xf32> to vector<16xf32>
        %parallel_loop3A_544 = arith.addf %parallel_loop3A_537, %parallel_loop3A_543 : vector<16xf32>
        %parallel_loop3A_545 = arith.constant 1 : i32
        %parallel_loop3A_546 = arith.index_cast %parallel_loop3A_545 : i32 to index
        %parallel_loop3A_547 = arith.index_cast %parallel_loop3A_411 : i32 to index
        %parallel_loop3A_548 = arith.constant 96 : index
        %parallel_loop3A_549 = tpu.vector_load %arg7[%parallel_loop3A_546, %parallel_loop3A_547, %parallel_loop3A_548] {strides = array<i32>} : memref<4x104x128xf32, #tpu.memory_space<vmem>>, vector<1x1x16xf32>,
        %parallel_loop3A_550 = vector.shape_cast %parallel_loop3A_549 : vector<1x1x16xf32> to vector<16xf32>
        %parallel_loop3A_551 = vector.shape_cast %parallel_loop3A_544 : vector<16xf32> to vector<1x1x16xf32>
        tpu.vector_store %arg7[%parallel_loop3A_546, %parallel_loop3A_547, %parallel_loop3A_548], %parallel_loop3A_551 {strides = array<i32>} : memref<4x104x128xf32, #tpu.memory_space<vmem>>, vector<1x1x16xf32>,
        %parallel_loop3A_552 = arith.constant 1 : i32
        %parallel_loop3A_553 = arith.index_cast %parallel_loop3A_552 : i32 to index
        %parallel_loop3A_554 = arith.index_cast %parallel_loop3A_411 : i32 to index
        %parallel_loop3A_555 = arith.constant 112 : index
        %parallel_loop3A_556 = tpu.vector_load %arg7[%parallel_loop3A_553, %parallel_loop3A_554, %parallel_loop3A_555] {strides = array<i32>} : memref<4x104x128xf32, #tpu.memory_space<vmem>>, vector<1x1x16xf32>,
        %parallel_loop3A_557 = vector.shape_cast %parallel_loop3A_556 : vector<1x1x16xf32> to vector<16xf32>
        %parallel_loop3A_558 = arith.constant 96 : i32
        %parallel_loop3A_559 = arith.addi %parallel_loop3A_558, %parallel_loop3A_411 : i32
        %parallel_loop3A_560 = arith.index_cast %parallel_loop3A_559 : i32 to index
        %parallel_loop3A_561 = arith.constant 112 : index
        %parallel_loop3A_562 = tpu.vector_load %arg8[%parallel_loop3A_560, %parallel_loop3A_561] {strides = array<i32>} : memref<200x128xf32, #tpu.memory_space<vmem>>, vector<1x16xf32>,
        %parallel_loop3A_563 = vector.shape_cast %parallel_loop3A_562 : vector<1x16xf32> to vector<16xf32>
        %parallel_loop3A_564 = arith.addf %parallel_loop3A_557, %parallel_loop3A_563 : vector<16xf32>
        %parallel_loop3A_565 = arith.constant 1 : i32
        %parallel_loop3A_566 = arith.index_cast %parallel_loop3A_565 : i32 to index
        %parallel_loop3A_567 = arith.index_cast %parallel_loop3A_411 : i32 to index
        %parallel_loop3A_568 = arith.constant 112 : index
        %parallel_loop3A_569 = tpu.vector_load %arg7[%parallel_loop3A_566, %parallel_loop3A_567, %parallel_loop3A_568] {strides = array<i32>} : memref<4x104x128xf32, #tpu.memory_space<vmem>>, vector<1x1x16xf32>,
        %parallel_loop3A_570 = vector.shape_cast %parallel_loop3A_569 : vector<1x1x16xf32> to vector<16xf32>
        %parallel_loop3A_571 = vector.shape_cast %parallel_loop3A_564 : vector<16xf32> to vector<1x1x16xf32>
        tpu.vector_store %arg7[%parallel_loop3A_566, %parallel_loop3A_567, %parallel_loop3A_568], %parallel_loop3A_571 {strides = array<i32>} : memref<4x104x128xf32, #tpu.memory_space<vmem>>, vector<1x1x16xf32>,
      } {sc.loop_unroll_factor = 4 : i64, sc.parallel_access}
      %mul3A_249 = arith.constant 2 : i32
      %mul3A_250 = arith.muli %mul3A_249, %scan3A_154 : i32
      %add3A_251 = arith.addi %mul3A_4, %mul3A_250 : i32
      %add3A_252 = arith.constant 0 : i32
      %add3A_253 = arith.addi %add3A_251, %add3A_252 : i32
      %dma_start3A_254 = arith.constant 1 : i32
      %dma_start3A_255 = arith.constant 0 : i32
      %dma_start3A_256 = arith.constant 0 : i32
      %dma_start3A_257 = tpu.memref_slice %arg7[%dma_start3A_254, %dma_start3A_255, %dma_start3A_256] : memref<4x104x128xf32, #tpu.memory_space<vmem>> -> memref<1x104x128xf32, #tpu.memory_space<vmem>>
      %dma_start3A_258 = tpu.memref_squeeze %dma_start3A_257 : memref<1x104x128xf32, #tpu.memory_space<vmem>> -> memref<104x128xf32, #tpu.memory_space<vmem>>
      %dma_start3A_259 = arith.constant 0 : i32
      %dma_start3A_260 = arith.constant 0 : i32
      %dma_start3A_261 = tpu.memref_slice %dma_start3A_258[%dma_start3A_259, %dma_start3A_260] : memref<104x128xf32, #tpu.memory_space<vmem>> -> memref<104x128xf32, #tpu.memory_space<vmem>>
      %dma_start3A_262 = arith.constant 0 : i32
      %dma_start3A_263 = arith.constant 0 : i32
      %dma_start3A_264 = tpu.memref_slice %arg5[%add3A_253, %dma_start3A_262, %dma_start3A_263] : memref<4096x200x128xf32, #tpu.memory_space<hbm>> -> memref<1x200x128xf32, #tpu.memory_space<hbm>>
      %dma_start3A_265 = tpu.memref_squeeze %dma_start3A_264 : memref<1x200x128xf32, #tpu.memory_space<hbm>> -> memref<200x128xf32, #tpu.memory_space<hbm>>
      %dma_start3A_266 = arith.constant 96 : i32
      %dma_start3A_267 = arith.constant 0 : i32
      %dma_start3A_268 = tpu.memref_slice %dma_start3A_265[%dma_start3A_266, %dma_start3A_267] : memref<200x128xf32, #tpu.memory_space<hbm>> -> memref<104x128xf32, #tpu.memory_space<hbm>>
      %dma_start3A_269 = arith.constant 0 : i32
      %dma_start3A_270 = arith.constant 0 : i32
      %dma_start3A_271 = tpu.memref_slice %arg5[%add3A_253, %dma_start3A_269, %dma_start3A_270] : memref<4096x200x128xf32, #tpu.memory_space<hbm>> -> memref<1x200x128xf32, #tpu.memory_space<hbm>>
      %dma_start3A_272 = tpu.memref_squeeze %dma_start3A_271 : memref<1x200x128xf32, #tpu.memory_space<hbm>> -> memref<200x128xf32, #tpu.memory_space<hbm>>
      %dma_start3A_273 = arith.constant 96 : i32
      %dma_start3A_274 = arith.constant 0 : i32
      %dma_start3A_275 = tpu.memref_slice %dma_start3A_272[%dma_start3A_273, %dma_start3A_274] : memref<200x128xf32, #tpu.memory_space<hbm>> -> memref<104x128xf32, #tpu.memory_space<hbm>>
      %dma_start3A_276 = arith.constant 0 : i32
      %dma_start3A_277 = arith.constant 0 : i32
      %dma_start3A_278 = tpu.memref_slice %arg7[%dma_start3A_254, %dma_start3A_276, %dma_start3A_277] : memref<4x104x128xf32, #tpu.memory_space<vmem>> -> memref<1x104x128xf32, #tpu.memory_space<vmem>>
      %dma_start3A_279 = tpu.memref_squeeze %dma_start3A_278 : memref<1x104x128xf32, #tpu.memory_space<vmem>> -> memref<104x128xf32, #tpu.memory_space<vmem>>
      %dma_start3A_280 = arith.constant 0 : i32
      %dma_start3A_281 = arith.constant 0 : i32
      %dma_start3A_282 = tpu.memref_slice %dma_start3A_279[%dma_start3A_280, %dma_start3A_281] : memref<104x128xf32, #tpu.memory_space<vmem>> -> memref<104x128xf32, #tpu.memory_space<vmem>>
      tpu.enqueue_dma source(%dma_start3A_282 : memref<104x128xf32, #tpu.memory_space<vmem>>) target(%dma_start3A_275 : memref<104x128xf32, #tpu.memory_space<hbm>>) target_semaphore(%arg14 : memref<!tpu.dma_semaphore, #tpu.memory_space<semaphore_mem>>)
      %mul3A_283 = arith.constant 4 : i32
      %mul3A_284 = arith.muli %mul3A_283, %scan3A_154 : i32
      %add3A_285 = arith.constant 2 : i32
      %add3A_286 = arith.addi %mul3A_284, %add3A_285 : i32
      %add3A_287 = arith.constant 2 : i32
      %add3A_288 = arith.addi %add3A_286, %add3A_287 : i32
      %lt3A_289 = arith.constant 256 : i32
      %lt3A_290 = arith.cmpi slt, %add3A_288, %lt3A_289 : i32
      %convert_element_type3A_291 = arith.extui %lt3A_290 : i1 to i32
      %cond3A_292 = arith.constant 0 : i32
      %cond3A_293 = arith.cmpi ne, %convert_element_type3A_291, %cond3A_292 : i32
      scf.if %cond3A_293 {
        %dma_wait3A_411 = arith.constant 0 : i32
        %dma_wait3A_412 = arith.constant 0 : i32
        %dma_wait3A_413 = arith.constant 0 : i32
        %dma_wait3A_414 = arith.constant 0 : i32
        %dma_wait3A_415 = tpu.memref_slice %arg7[%dma_wait3A_411, %dma_wait3A_413, %dma_wait3A_414] : memref<4x104x128xf32, #tpu.memory_space<vmem>> -> memref<1x104x128xf32, #tpu.memory_space<vmem>>
        %dma_wait3A_416 = tpu.memref_squeeze %dma_wait3A_415 : memref<1x104x128xf32, #tpu.memory_space<vmem>> -> memref<104x128xf32, #tpu.memory_space<vmem>>
        %dma_wait3A_417 = arith.constant 0 : i32
        %dma_wait3A_418 = arith.constant 0 : i32
        %dma_wait3A_419 = tpu.memref_slice %dma_wait3A_416[%dma_wait3A_417, %dma_wait3A_418] : memref<104x128xf32, #tpu.memory_space<vmem>> -> memref<96x128xf32, #tpu.memory_space<vmem>>
        %dma_wait3A_420 = arith.constant 0 : i32
        %dma_wait3A_421 = arith.constant 0 : i32
        %dma_wait3A_422 = tpu.memref_slice %arg5[%dma_wait3A_412, %dma_wait3A_420, %dma_wait3A_421] : memref<4096x200x128xf32, #tpu.memory_space<hbm>> -> memref<1x200x128xf32, #tpu.memory_space<hbm>>
        %dma_wait3A_423 = tpu.memref_squeeze %dma_wait3A_422 : memref<1x200x128xf32, #tpu.memory_space<hbm>> -> memref<200x128xf32, #tpu.memory_space<hbm>>
        %dma_wait3A_424 = arith.constant 0 : i32
        %dma_wait3A_425 = arith.constant 0 : i32
        %dma_wait3A_426 = tpu.memref_slice %dma_wait3A_423[%dma_wait3A_424, %dma_wait3A_425] : memref<200x128xf32, #tpu.memory_space<hbm>> -> memref<96x128xf32, #tpu.memory_space<hbm>>
        %dma_wait3A_427 = arith.constant 0 : i32
        %dma_wait3A_428 = arith.constant 0 : i32
        %dma_wait3A_429 = tpu.memref_slice %arg5[%dma_wait3A_412, %dma_wait3A_427, %dma_wait3A_428] : memref<4096x200x128xf32, #tpu.memory_space<hbm>> -> memref<1x200x128xf32, #tpu.memory_space<hbm>>
        %dma_wait3A_430 = tpu.memref_squeeze %dma_wait3A_429 : memref<1x200x128xf32, #tpu.memory_space<hbm>> -> memref<200x128xf32, #tpu.memory_space<hbm>>
        %dma_wait3A_431 = arith.constant 0 : i32
        %dma_wait3A_432 = arith.constant 0 : i32
        %dma_wait3A_433 = tpu.memref_slice %dma_wait3A_430[%dma_wait3A_431, %dma_wait3A_432] : memref<200x128xf32, #tpu.memory_space<hbm>> -> memref<96x128xf32, #tpu.memory_space<hbm>>
        %dma_wait3A_434 = arith.constant 0 : i32
        %dma_wait3A_435 = arith.constant 0 : i32
        %dma_wait3A_436 = tpu.memref_slice %arg7[%dma_wait3A_411, %dma_wait3A_434, %dma_wait3A_435] : memref<4x104x128xf32, #tpu.memory_space<vmem>> -> memref<1x104x128xf32, #tpu.memory_space<vmem>>
        %dma_wait3A_437 = tpu.memref_squeeze %dma_wait3A_436 : memref<1x104x128xf32, #tpu.memory_space<vmem>> -> memref<104x128xf32, #tpu.memory_space<vmem>>
        %dma_wait3A_438 = arith.constant 0 : i32
        %dma_wait3A_439 = arith.constant 0 : i32
        %dma_wait3A_440 = tpu.memref_slice %dma_wait3A_437[%dma_wait3A_438, %dma_wait3A_439] : memref<104x128xf32, #tpu.memory_space<vmem>> -> memref<96x128xf32, #tpu.memory_space<vmem>>
        tpu.wait_dma2 semaphore(%arg13 : memref<!tpu.dma_semaphore, #tpu.memory_space<semaphore_mem>>) src(%dma_wait3A_440 : memref<96x128xf32, #tpu.memory_space<vmem>>) dst(%dma_wait3A_433 : memref<96x128xf32, #tpu.memory_space<hbm>>)
      } else {
      }
      %convert_element_type3A_294 = arith.extui %lt3A_290 : i1 to i32
      %cond3A_295 = arith.constant 0 : i32
      %cond3A_296 = arith.cmpi ne, %convert_element_type3A_294, %cond3A_295 : i32
      scf.if %cond3A_296 {
        %add3A_411 = arith.constant 1 : i32
        %add3A_412 = arith.addi %scan3A_154, %add3A_411 : i32
        %mul3A_413 = arith.constant 2 : i32
        %mul3A_414 = arith.muli %mul3A_413, %add3A_412 : i32
        %add3A_415 = arith.constant 0 : i32
        %add3A_416 = arith.addi %mul3A_414, %add3A_415 : i32
        %mul3A_417 = arith.constant 200 : i32
        %mul3A_418 = arith.muli %add3A_416, %mul3A_417 : i32
        %add3A_419 = arith.constant 0 : i32
        %add3A_420 = arith.addi %mul3A_418, %add3A_419 : i32
        %dma_start3A_421 = arith.constant 0 : i32
        %dma_start3A_422 = arith.constant 0 : i32
        %dma_start3A_423 = arith.constant 0 : i32
        %dma_start3A_424 = tpu.memref_slice %arg7[%dma_start3A_421, %dma_start3A_422, %dma_start3A_423] : memref<4x104x128xf32, #tpu.memory_space<vmem>> -> memref<1x104x128xf32, #tpu.memory_space<vmem>>
        %dma_start3A_425 = tpu.memref_squeeze %dma_start3A_424 : memref<1x104x128xf32, #tpu.memory_space<vmem>> -> memref<104x128xf32, #tpu.memory_space<vmem>>
        %dma_start3A_426 = arith.constant 0 : i32
        %dma_start3A_427 = arith.constant 0 : i32
        %dma_start3A_428 = tpu.memref_slice %dma_start3A_425[%dma_start3A_426, %dma_start3A_427] : memref<104x128xf32, #tpu.memory_space<vmem>> -> memref<96x128xf32, #tpu.memory_space<vmem>>
        %dma_start3A_429 = tpu.memref_slice %arg6[%add3A_420] : memref<25600xi32, #tpu.memory_space<vmem>> -> memref<96xi32, #tpu.memory_space<vmem>>
        %dma_start3A_430 = arith.constant 0 : i32
        %dma_start3A_431 = arith.constant 0 : i32
        %dma_start3A_432 = tpu.memref_slice %arg3[%dma_start3A_430, %dma_start3A_431] : memref<100000x128xf32, #tpu.memory_space<hbm>> -> memref<100000x128xf32, #tpu.memory_space<hbm>>
        tpu.enqueue_indirect_dma source(%dma_start3A_432 : memref<100000x128xf32, #tpu.memory_space<hbm>>) target(%dma_start3A_428 : memref<96x128xf32, #tpu.memory_space<vmem>>) offsets(%dma_start3A_429 : memref<96xi32, #tpu.memory_space<vmem>>) semaphore(%arg9 : memref<!tpu.dma_semaphore, #tpu.memory_space<semaphore_mem>>)
      } else {
      }
      %dma_wait3A_297 = arith.constant 2 : i32
      %dma_wait3A_298 = arith.constant 0 : i32
      %dma_wait3A_299 = arith.constant 0 : i32
      %dma_wait3A_300 = tpu.memref_slice %arg7[%dma_wait3A_297, %dma_wait3A_298, %dma_wait3A_299] : memref<4x104x128xf32, #tpu.memory_space<vmem>> -> memref<1x104x128xf32, #tpu.memory_space<vmem>>
      %dma_wait3A_301 = tpu.memref_squeeze %dma_wait3A_300 : memref<1x104x128xf32, #tpu.memory_space<vmem>> -> memref<104x128xf32, #tpu.memory_space<vmem>>
      %dma_wait3A_302 = arith.constant 0 : i32
      %dma_wait3A_303 = arith.constant 0 : i32
      %dma_wait3A_304 = tpu.memref_slice %dma_wait3A_301[%dma_wait3A_302, %dma_wait3A_303] : memref<104x128xf32, #tpu.memory_space<vmem>> -> memref<96x128xf32, #tpu.memory_space<vmem>>
      %dma_wait3A_305 = arith.constant 0 : i32
      %dma_wait3A_306 = tpu.memref_slice %arg6[%dma_wait3A_305] : memref<25600xi32, #tpu.memory_space<vmem>> -> memref<96xi32, #tpu.memory_space<vmem>>
      %dma_wait3A_307 = arith.constant 0 : i32
      %dma_wait3A_308 = arith.constant 0 : i32
      %dma_wait3A_309 = tpu.memref_slice %arg3[%dma_wait3A_307, %dma_wait3A_308] : memref<100000x128xf32, #tpu.memory_space<hbm>> -> memref<100000x128xf32, #tpu.memory_space<hbm>>
      tpu.wait_indirect_dma semaphore(%arg11 : memref<!tpu.dma_semaphore, #tpu.memory_space<semaphore_mem>>) src(%dma_wait3A_309 : memref<100000x128xf32, #tpu.memory_space<hbm>>) dst(%dma_wait3A_304 : memref<96x128xf32, #tpu.memory_space<vmem>>)
      %parallel_loop3A_310 = arith.constant 0 : i32
      %parallel_loop3A_311 = arith.constant 96 : i32
      %parallel_loop3A_312 = arith.constant 1 : i32
      scf.for %parallel_loop3A_411 = %parallel_loop3A_310 to %parallel_loop3A_311 step %parallel_loop3A_312  : i32 {
        %parallel_loop3A_412 = arith.constant 2 : i32
        %parallel_loop3A_413 = arith.index_cast %parallel_loop3A_412 : i32 to index
        %parallel_loop3A_414 = arith.index_cast %parallel_loop3A_411 : i32 to index
        %parallel_loop3A_415 = arith.constant 0 : index
        %parallel_loop3A_416 = tpu.vector_load %arg7[%parallel_loop3A_413, %parallel_loop3A_414, %parallel_loop3A_415] {strides = array<i32>} : memref<4x104x128xf32, #tpu.memory_space<vmem>>, vector<1x1x16xf32>,
        %parallel_loop3A_417 = vector.shape_cast %parallel_loop3A_416 : vector<1x1x16xf32> to vector<16xf32>
        %parallel_loop3A_418 = arith.constant 0 : i32
        %parallel_loop3A_419 = arith.addi %parallel_loop3A_418, %parallel_loop3A_411 : i32
        %parallel_loop3A_420 = arith.index_cast %parallel_loop3A_419 : i32 to index
        %parallel_loop3A_421 = arith.constant 0 : index
        %parallel_loop3A_422 = tpu.vector_load %arg8[%parallel_loop3A_420, %parallel_loop3A_421] {strides = array<i32>} : memref<200x128xf32, #tpu.memory_space<vmem>>, vector<1x16xf32>,
        %parallel_loop3A_423 = vector.shape_cast %parallel_loop3A_422 : vector<1x16xf32> to vector<16xf32>
        %parallel_loop3A_424 = arith.addf %parallel_loop3A_417, %parallel_loop3A_423 : vector<16xf32>
        %parallel_loop3A_425 = arith.constant 2 : i32
        %parallel_loop3A_426 = arith.index_cast %parallel_loop3A_425 : i32 to index
        %parallel_loop3A_427 = arith.index_cast %parallel_loop3A_411 : i32 to index
        %parallel_loop3A_428 = arith.constant 0 : index
        %parallel_loop3A_429 = tpu.vector_load %arg7[%parallel_loop3A_426, %parallel_loop3A_427, %parallel_loop3A_428] {strides = array<i32>} : memref<4x104x128xf32, #tpu.memory_space<vmem>>, vector<1x1x16xf32>,
        %parallel_loop3A_430 = vector.shape_cast %parallel_loop3A_429 : vector<1x1x16xf32> to vector<16xf32>
        %parallel_loop3A_431 = vector.shape_cast %parallel_loop3A_424 : vector<16xf32> to vector<1x1x16xf32>
        tpu.vector_store %arg7[%parallel_loop3A_426, %parallel_loop3A_427, %parallel_loop3A_428], %parallel_loop3A_431 {strides = array<i32>} : memref<4x104x128xf32, #tpu.memory_space<vmem>>, vector<1x1x16xf32>,
        %parallel_loop3A_432 = arith.constant 2 : i32
        %parallel_loop3A_433 = arith.index_cast %parallel_loop3A_432 : i32 to index
        %parallel_loop3A_434 = arith.index_cast %parallel_loop3A_411 : i32 to index
        %parallel_loop3A_435 = arith.constant 16 : index
        %parallel_loop3A_436 = tpu.vector_load %arg7[%parallel_loop3A_433, %parallel_loop3A_434, %parallel_loop3A_435] {strides = array<i32>} : memref<4x104x128xf32, #tpu.memory_space<vmem>>, vector<1x1x16xf32>,
        %parallel_loop3A_437 = vector.shape_cast %parallel_loop3A_436 : vector<1x1x16xf32> to vector<16xf32>
        %parallel_loop3A_438 = arith.constant 0 : i32
        %parallel_loop3A_439 = arith.addi %parallel_loop3A_438, %parallel_loop3A_411 : i32
        %parallel_loop3A_440 = arith.index_cast %parallel_loop3A_439 : i32 to index
        %parallel_loop3A_441 = arith.constant 16 : index
        %parallel_loop3A_442 = tpu.vector_load %arg8[%parallel_loop3A_440, %parallel_loop3A_441] {strides = array<i32>} : memref<200x128xf32, #tpu.memory_space<vmem>>, vector<1x16xf32>,
        %parallel_loop3A_443 = vector.shape_cast %parallel_loop3A_442 : vector<1x16xf32> to vector<16xf32>
        %parallel_loop3A_444 = arith.addf %parallel_loop3A_437, %parallel_loop3A_443 : vector<16xf32>
        %parallel_loop3A_445 = arith.constant 2 : i32
        %parallel_loop3A_446 = arith.index_cast %parallel_loop3A_445 : i32 to index
        %parallel_loop3A_447 = arith.index_cast %parallel_loop3A_411 : i32 to index
        %parallel_loop3A_448 = arith.constant 16 : index
        %parallel_loop3A_449 = tpu.vector_load %arg7[%parallel_loop3A_446, %parallel_loop3A_447, %parallel_loop3A_448] {strides = array<i32>} : memref<4x104x128xf32, #tpu.memory_space<vmem>>, vector<1x1x16xf32>,
        %parallel_loop3A_450 = vector.shape_cast %parallel_loop3A_449 : vector<1x1x16xf32> to vector<16xf32>
        %parallel_loop3A_451 = vector.shape_cast %parallel_loop3A_444 : vector<16xf32> to vector<1x1x16xf32>
        tpu.vector_store %arg7[%parallel_loop3A_446, %parallel_loop3A_447, %parallel_loop3A_448], %parallel_loop3A_451 {strides = array<i32>} : memref<4x104x128xf32, #tpu.memory_space<vmem>>, vector<1x1x16xf32>,
        %parallel_loop3A_452 = arith.constant 2 : i32
        %parallel_loop3A_453 = arith.index_cast %parallel_loop3A_452 : i32 to index
        %parallel_loop3A_454 = arith.index_cast %parallel_loop3A_411 : i32 to index
        %parallel_loop3A_455 = arith.constant 32 : index
        %parallel_loop3A_456 = tpu.vector_load %arg7[%parallel_loop3A_453, %parallel_loop3A_454, %parallel_loop3A_455] {strides = array<i32>} : memref<4x104x128xf32, #tpu.memory_space<vmem>>, vector<1x1x16xf32>,
        %parallel_loop3A_457 = vector.shape_cast %parallel_loop3A_456 : vector<1x1x16xf32> to vector<16xf32>
        %parallel_loop3A_458 = arith.constant 0 : i32
        %parallel_loop3A_459 = arith.addi %parallel_loop3A_458, %parallel_loop3A_411 : i32
        %parallel_loop3A_460 = arith.index_cast %parallel_loop3A_459 : i32 to index
        %parallel_loop3A_461 = arith.constant 32 : index
        %parallel_loop3A_462 = tpu.vector_load %arg8[%parallel_loop3A_460, %parallel_loop3A_461] {strides = array<i32>} : memref<200x128xf32, #tpu.memory_space<vmem>>, vector<1x16xf32>,
        %parallel_loop3A_463 = vector.shape_cast %parallel_loop3A_462 : vector<1x16xf32> to vector<16xf32>
        %parallel_loop3A_464 = arith.addf %parallel_loop3A_457, %parallel_loop3A_463 : vector<16xf32>
        %parallel_loop3A_465 = arith.constant 2 : i32
        %parallel_loop3A_466 = arith.index_cast %parallel_loop3A_465 : i32 to index
        %parallel_loop3A_467 = arith.index_cast %parallel_loop3A_411 : i32 to index
        %parallel_loop3A_468 = arith.constant 32 : index
        %parallel_loop3A_469 = tpu.vector_load %arg7[%parallel_loop3A_466, %parallel_loop3A_467, %parallel_loop3A_468] {strides = array<i32>} : memref<4x104x128xf32, #tpu.memory_space<vmem>>, vector<1x1x16xf32>,
        %parallel_loop3A_470 = vector.shape_cast %parallel_loop3A_469 : vector<1x1x16xf32> to vector<16xf32>
        %parallel_loop3A_471 = vector.shape_cast %parallel_loop3A_464 : vector<16xf32> to vector<1x1x16xf32>
        tpu.vector_store %arg7[%parallel_loop3A_466, %parallel_loop3A_467, %parallel_loop3A_468], %parallel_loop3A_471 {strides = array<i32>} : memref<4x104x128xf32, #tpu.memory_space<vmem>>, vector<1x1x16xf32>,
        %parallel_loop3A_472 = arith.constant 2 : i32
        %parallel_loop3A_473 = arith.index_cast %parallel_loop3A_472 : i32 to index
        %parallel_loop3A_474 = arith.index_cast %parallel_loop3A_411 : i32 to index
        %parallel_loop3A_475 = arith.constant 48 : index
        %parallel_loop3A_476 = tpu.vector_load %arg7[%parallel_loop3A_473, %parallel_loop3A_474, %parallel_loop3A_475] {strides = array<i32>} : memref<4x104x128xf32, #tpu.memory_space<vmem>>, vector<1x1x16xf32>,
        %parallel_loop3A_477 = vector.shape_cast %parallel_loop3A_476 : vector<1x1x16xf32> to vector<16xf32>
        %parallel_loop3A_478 = arith.constant 0 : i32
        %parallel_loop3A_479 = arith.addi %parallel_loop3A_478, %parallel_loop3A_411 : i32
        %parallel_loop3A_480 = arith.index_cast %parallel_loop3A_479 : i32 to index
        %parallel_loop3A_481 = arith.constant 48 : index
        %parallel_loop3A_482 = tpu.vector_load %arg8[%parallel_loop3A_480, %parallel_loop3A_481] {strides = array<i32>} : memref<200x128xf32, #tpu.memory_space<vmem>>, vector<1x16xf32>,
        %parallel_loop3A_483 = vector.shape_cast %parallel_loop3A_482 : vector<1x16xf32> to vector<16xf32>
        %parallel_loop3A_484 = arith.addf %parallel_loop3A_477, %parallel_loop3A_483 : vector<16xf32>
        %parallel_loop3A_485 = arith.constant 2 : i32
        %parallel_loop3A_486 = arith.index_cast %parallel_loop3A_485 : i32 to index
        %parallel_loop3A_487 = arith.index_cast %parallel_loop3A_411 : i32 to index
        %parallel_loop3A_488 = arith.constant 48 : index
        %parallel_loop3A_489 = tpu.vector_load %arg7[%parallel_loop3A_486, %parallel_loop3A_487, %parallel_loop3A_488] {strides = array<i32>} : memref<4x104x128xf32, #tpu.memory_space<vmem>>, vector<1x1x16xf32>,
        %parallel_loop3A_490 = vector.shape_cast %parallel_loop3A_489 : vector<1x1x16xf32> to vector<16xf32>
        %parallel_loop3A_491 = vector.shape_cast %parallel_loop3A_484 : vector<16xf32> to vector<1x1x16xf32>
        tpu.vector_store %arg7[%parallel_loop3A_486, %parallel_loop3A_487, %parallel_loop3A_488], %parallel_loop3A_491 {strides = array<i32>} : memref<4x104x128xf32, #tpu.memory_space<vmem>>, vector<1x1x16xf32>,
        %parallel_loop3A_492 = arith.constant 2 : i32
        %parallel_loop3A_493 = arith.index_cast %parallel_loop3A_492 : i32 to index
        %parallel_loop3A_494 = arith.index_cast %parallel_loop3A_411 : i32 to index
        %parallel_loop3A_495 = arith.constant 64 : index
        %parallel_loop3A_496 = tpu.vector_load %arg7[%parallel_loop3A_493, %parallel_loop3A_494, %parallel_loop3A_495] {strides = array<i32>} : memref<4x104x128xf32, #tpu.memory_space<vmem>>, vector<1x1x16xf32>,
        %parallel_loop3A_497 = vector.shape_cast %parallel_loop3A_496 : vector<1x1x16xf32> to vector<16xf32>
        %parallel_loop3A_498 = arith.constant 0 : i32
        %parallel_loop3A_499 = arith.addi %parallel_loop3A_498, %parallel_loop3A_411 : i32
        %parallel_loop3A_500 = arith.index_cast %parallel_loop3A_499 : i32 to index
        %parallel_loop3A_501 = arith.constant 64 : index
        %parallel_loop3A_502 = tpu.vector_load %arg8[%parallel_loop3A_500, %parallel_loop3A_501] {strides = array<i32>} : memref<200x128xf32, #tpu.memory_space<vmem>>, vector<1x16xf32>,
        %parallel_loop3A_503 = vector.shape_cast %parallel_loop3A_502 : vector<1x16xf32> to vector<16xf32>
        %parallel_loop3A_504 = arith.addf %parallel_loop3A_497, %parallel_loop3A_503 : vector<16xf32>
        %parallel_loop3A_505 = arith.constant 2 : i32
        %parallel_loop3A_506 = arith.index_cast %parallel_loop3A_505 : i32 to index
        %parallel_loop3A_507 = arith.index_cast %parallel_loop3A_411 : i32 to index
        %parallel_loop3A_508 = arith.constant 64 : index
        %parallel_loop3A_509 = tpu.vector_load %arg7[%parallel_loop3A_506, %parallel_loop3A_507, %parallel_loop3A_508] {strides = array<i32>} : memref<4x104x128xf32, #tpu.memory_space<vmem>>, vector<1x1x16xf32>,
        %parallel_loop3A_510 = vector.shape_cast %parallel_loop3A_509 : vector<1x1x16xf32> to vector<16xf32>
        %parallel_loop3A_511 = vector.shape_cast %parallel_loop3A_504 : vector<16xf32> to vector<1x1x16xf32>
        tpu.vector_store %arg7[%parallel_loop3A_506, %parallel_loop3A_507, %parallel_loop3A_508], %parallel_loop3A_511 {strides = array<i32>} : memref<4x104x128xf32, #tpu.memory_space<vmem>>, vector<1x1x16xf32>,
        %parallel_loop3A_512 = arith.constant 2 : i32
        %parallel_loop3A_513 = arith.index_cast %parallel_loop3A_512 : i32 to index
        %parallel_loop3A_514 = arith.index_cast %parallel_loop3A_411 : i32 to index
        %parallel_loop3A_515 = arith.constant 80 : index
        %parallel_loop3A_516 = tpu.vector_load %arg7[%parallel_loop3A_513, %parallel_loop3A_514, %parallel_loop3A_515] {strides = array<i32>} : memref<4x104x128xf32, #tpu.memory_space<vmem>>, vector<1x1x16xf32>,
        %parallel_loop3A_517 = vector.shape_cast %parallel_loop3A_516 : vector<1x1x16xf32> to vector<16xf32>
        %parallel_loop3A_518 = arith.constant 0 : i32
        %parallel_loop3A_519 = arith.addi %parallel_loop3A_518, %parallel_loop3A_411 : i32
        %parallel_loop3A_520 = arith.index_cast %parallel_loop3A_519 : i32 to index
        %parallel_loop3A_521 = arith.constant 80 : index
        %parallel_loop3A_522 = tpu.vector_load %arg8[%parallel_loop3A_520, %parallel_loop3A_521] {strides = array<i32>} : memref<200x128xf32, #tpu.memory_space<vmem>>, vector<1x16xf32>,
        %parallel_loop3A_523 = vector.shape_cast %parallel_loop3A_522 : vector<1x16xf32> to vector<16xf32>
        %parallel_loop3A_524 = arith.addf %parallel_loop3A_517, %parallel_loop3A_523 : vector<16xf32>
        %parallel_loop3A_525 = arith.constant 2 : i32
        %parallel_loop3A_526 = arith.index_cast %parallel_loop3A_525 : i32 to index
        %parallel_loop3A_527 = arith.index_cast %parallel_loop3A_411 : i32 to index
        %parallel_loop3A_528 = arith.constant 80 : index
        %parallel_loop3A_529 = tpu.vector_load %arg7[%parallel_loop3A_526, %parallel_loop3A_527, %parallel_loop3A_528] {strides = array<i32>} : memref<4x104x128xf32, #tpu.memory_space<vmem>>, vector<1x1x16xf32>,
        %parallel_loop3A_530 = vector.shape_cast %parallel_loop3A_529 : vector<1x1x16xf32> to vector<16xf32>
        %parallel_loop3A_531 = vector.shape_cast %parallel_loop3A_524 : vector<16xf32> to vector<1x1x16xf32>
        tpu.vector_store %arg7[%parallel_loop3A_526, %parallel_loop3A_527, %parallel_loop3A_528], %parallel_loop3A_531 {strides = array<i32>} : memref<4x104x128xf32, #tpu.memory_space<vmem>>, vector<1x1x16xf32>,
        %parallel_loop3A_532 = arith.constant 2 : i32
        %parallel_loop3A_533 = arith.index_cast %parallel_loop3A_532 : i32 to index
        %parallel_loop3A_534 = arith.index_cast %parallel_loop3A_411 : i32 to index
        %parallel_loop3A_535 = arith.constant 96 : index
        %parallel_loop3A_536 = tpu.vector_load %arg7[%parallel_loop3A_533, %parallel_loop3A_534, %parallel_loop3A_535] {strides = array<i32>} : memref<4x104x128xf32, #tpu.memory_space<vmem>>, vector<1x1x16xf32>,
        %parallel_loop3A_537 = vector.shape_cast %parallel_loop3A_536 : vector<1x1x16xf32> to vector<16xf32>
        %parallel_loop3A_538 = arith.constant 0 : i32
        %parallel_loop3A_539 = arith.addi %parallel_loop3A_538, %parallel_loop3A_411 : i32
        %parallel_loop3A_540 = arith.index_cast %parallel_loop3A_539 : i32 to index
        %parallel_loop3A_541 = arith.constant 96 : index
        %parallel_loop3A_542 = tpu.vector_load %arg8[%parallel_loop3A_540, %parallel_loop3A_541] {strides = array<i32>} : memref<200x128xf32, #tpu.memory_space<vmem>>, vector<1x16xf32>,
        %parallel_loop3A_543 = vector.shape_cast %parallel_loop3A_542 : vector<1x16xf32> to vector<16xf32>
        %parallel_loop3A_544 = arith.addf %parallel_loop3A_537, %parallel_loop3A_543 : vector<16xf32>
        %parallel_loop3A_545 = arith.constant 2 : i32
        %parallel_loop3A_546 = arith.index_cast %parallel_loop3A_545 : i32 to index
        %parallel_loop3A_547 = arith.index_cast %parallel_loop3A_411 : i32 to index
        %parallel_loop3A_548 = arith.constant 96 : index
        %parallel_loop3A_549 = tpu.vector_load %arg7[%parallel_loop3A_546, %parallel_loop3A_547, %parallel_loop3A_548] {strides = array<i32>} : memref<4x104x128xf32, #tpu.memory_space<vmem>>, vector<1x1x16xf32>,
        %parallel_loop3A_550 = vector.shape_cast %parallel_loop3A_549 : vector<1x1x16xf32> to vector<16xf32>
        %parallel_loop3A_551 = vector.shape_cast %parallel_loop3A_544 : vector<16xf32> to vector<1x1x16xf32>
        tpu.vector_store %arg7[%parallel_loop3A_546, %parallel_loop3A_547, %parallel_loop3A_548], %parallel_loop3A_551 {strides = array<i32>} : memref<4x104x128xf32, #tpu.memory_space<vmem>>, vector<1x1x16xf32>,
        %parallel_loop3A_552 = arith.constant 2 : i32
        %parallel_loop3A_553 = arith.index_cast %parallel_loop3A_552 : i32 to index
        %parallel_loop3A_554 = arith.index_cast %parallel_loop3A_411 : i32 to index
        %parallel_loop3A_555 = arith.constant 112 : index
        %parallel_loop3A_556 = tpu.vector_load %arg7[%parallel_loop3A_553, %parallel_loop3A_554, %parallel_loop3A_555] {strides = array<i32>} : memref<4x104x128xf32, #tpu.memory_space<vmem>>, vector<1x1x16xf32>,
        %parallel_loop3A_557 = vector.shape_cast %parallel_loop3A_556 : vector<1x1x16xf32> to vector<16xf32>
        %parallel_loop3A_558 = arith.constant 0 : i32
        %parallel_loop3A_559 = arith.addi %parallel_loop3A_558, %parallel_loop3A_411 : i32
        %parallel_loop3A_560 = arith.index_cast %parallel_loop3A_559 : i32 to index
        %parallel_loop3A_561 = arith.constant 112 : index
        %parallel_loop3A_562 = tpu.vector_load %arg8[%parallel_loop3A_560, %parallel_loop3A_561] {strides = array<i32>} : memref<200x128xf32, #tpu.memory_space<vmem>>, vector<1x16xf32>,
        %parallel_loop3A_563 = vector.shape_cast %parallel_loop3A_562 : vector<1x16xf32> to vector<16xf32>
        %parallel_loop3A_564 = arith.addf %parallel_loop3A_557, %parallel_loop3A_563 : vector<16xf32>
        %parallel_loop3A_565 = arith.constant 2 : i32
        %parallel_loop3A_566 = arith.index_cast %parallel_loop3A_565 : i32 to index
        %parallel_loop3A_567 = arith.index_cast %parallel_loop3A_411 : i32 to index
        %parallel_loop3A_568 = arith.constant 112 : index
        %parallel_loop3A_569 = tpu.vector_load %arg7[%parallel_loop3A_566, %parallel_loop3A_567, %parallel_loop3A_568] {strides = array<i32>} : memref<4x104x128xf32, #tpu.memory_space<vmem>>, vector<1x1x16xf32>,
        %parallel_loop3A_570 = vector.shape_cast %parallel_loop3A_569 : vector<1x1x16xf32> to vector<16xf32>
        %parallel_loop3A_571 = vector.shape_cast %parallel_loop3A_564 : vector<16xf32> to vector<1x1x16xf32>
        tpu.vector_store %arg7[%parallel_loop3A_566, %parallel_loop3A_567, %parallel_loop3A_568], %parallel_loop3A_571 {strides = array<i32>} : memref<4x104x128xf32, #tpu.memory_space<vmem>>, vector<1x1x16xf32>,
      } {sc.loop_unroll_factor = 4 : i64, sc.parallel_access}
      %mul3A_313 = arith.constant 2 : i32
      %mul3A_314 = arith.muli %mul3A_313, %scan3A_154 : i32
      %add3A_315 = arith.addi %mul3A_4, %mul3A_314 : i32
      %add3A_316 = arith.constant 1 : i32
      %add3A_317 = arith.addi %add3A_315, %add3A_316 : i32
      %dma_start3A_318 = arith.constant 2 : i32
      %dma_start3A_319 = arith.constant 0 : i32
      %dma_start3A_320 = arith.constant 0 : i32
      %dma_start3A_321 = tpu.memref_slice %arg7[%dma_start3A_318, %dma_start3A_319, %dma_start3A_320] : memref<4x104x128xf32, #tpu.memory_space<vmem>> -> memref<1x104x128xf32, #tpu.memory_space<vmem>>
      %dma_start3A_322 = tpu.memref_squeeze %dma_start3A_321 : memref<1x104x128xf32, #tpu.memory_space<vmem>> -> memref<104x128xf32, #tpu.memory_space<vmem>>
      %dma_start3A_323 = arith.constant 0 : i32
      %dma_start3A_324 = arith.constant 0 : i32
      %dma_start3A_325 = tpu.memref_slice %dma_start3A_322[%dma_start3A_323, %dma_start3A_324] : memref<104x128xf32, #tpu.memory_space<vmem>> -> memref<96x128xf32, #tpu.memory_space<vmem>>
      %dma_start3A_326 = arith.constant 0 : i32
      %dma_start3A_327 = arith.constant 0 : i32
      %dma_start3A_328 = tpu.memref_slice %arg5[%add3A_317, %dma_start3A_326, %dma_start3A_327] : memref<4096x200x128xf32, #tpu.memory_space<hbm>> -> memref<1x200x128xf32, #tpu.memory_space<hbm>>
      %dma_start3A_329 = tpu.memref_squeeze %dma_start3A_328 : memref<1x200x128xf32, #tpu.memory_space<hbm>> -> memref<200x128xf32, #tpu.memory_space<hbm>>
      %dma_start3A_330 = arith.constant 0 : i32
      %dma_start3A_331 = arith.constant 0 : i32
      %dma_start3A_332 = tpu.memref_slice %dma_start3A_329[%dma_start3A_330, %dma_start3A_331] : memref<200x128xf32, #tpu.memory_space<hbm>> -> memref<96x128xf32, #tpu.memory_space<hbm>>
      %dma_start3A_333 = arith.constant 0 : i32
      %dma_start3A_334 = arith.constant 0 : i32
      %dma_start3A_335 = tpu.memref_slice %arg5[%add3A_317, %dma_start3A_333, %dma_start3A_334] : memref<4096x200x128xf32, #tpu.memory_space<hbm>> -> memref<1x200x128xf32, #tpu.memory_space<hbm>>
      %dma_start3A_336 = tpu.memref_squeeze %dma_start3A_335 : memref<1x200x128xf32, #tpu.memory_space<hbm>> -> memref<200x128xf32, #tpu.memory_space<hbm>>
      %dma_start3A_337 = arith.constant 0 : i32
      %dma_start3A_338 = arith.constant 0 : i32
      %dma_start3A_339 = tpu.memref_slice %dma_start3A_336[%dma_start3A_337, %dma_start3A_338] : memref<200x128xf32, #tpu.memory_space<hbm>> -> memref<96x128xf32, #tpu.memory_space<hbm>>
      %dma_start3A_340 = arith.constant 0 : i32
      %dma_start3A_341 = arith.constant 0 : i32
      %dma_start3A_342 = tpu.memref_slice %arg7[%dma_start3A_318, %dma_start3A_340, %dma_start3A_341] : memref<4x104x128xf32, #tpu.memory_space<vmem>> -> memref<1x104x128xf32, #tpu.memory_space<vmem>>
      %dma_start3A_343 = tpu.memref_squeeze %dma_start3A_342 : memref<1x104x128xf32, #tpu.memory_space<vmem>> -> memref<104x128xf32, #tpu.memory_space<vmem>>
      %dma_start3A_344 = arith.constant 0 : i32
      %dma_start3A_345 = arith.constant 0 : i32
      %dma_start3A_346 = tpu.memref_slice %dma_start3A_343[%dma_start3A_344, %dma_start3A_345] : memref<104x128xf32, #tpu.memory_space<vmem>> -> memref<96x128xf32, #tpu.memory_space<vmem>>
      tpu.enqueue_dma source(%dma_start3A_346 : memref<96x128xf32, #tpu.memory_space<vmem>>) target(%dma_start3A_339 : memref<96x128xf32, #tpu.memory_space<hbm>>) target_semaphore(%arg15 : memref<!tpu.dma_semaphore, #tpu.memory_space<semaphore_mem>>)
      %mul3A_347 = arith.constant 4 : i32
      %mul3A_348 = arith.muli %mul3A_347, %scan3A_154 : i32
      %add3A_349 = arith.constant 3 : i32
      %add3A_350 = arith.addi %mul3A_348, %add3A_349 : i32
      %add3A_351 = arith.constant 2 : i32
      %add3A_352 = arith.addi %add3A_350, %add3A_351 : i32
      %lt3A_353 = arith.constant 256 : i32
      %lt3A_354 = arith.cmpi slt, %add3A_352, %lt3A_353 : i32
      %convert_element_type3A_355 = arith.extui %lt3A_354 : i1 to i32
      %cond3A_356 = arith.constant 0 : i32
      %cond3A_357 = arith.cmpi ne, %convert_element_type3A_355, %cond3A_356 : i32
      scf.if %cond3A_357 {
        %dma_wait3A_411 = arith.constant 1 : i32
        %dma_wait3A_412 = arith.constant 0 : i32
        %dma_wait3A_413 = arith.constant 0 : i32
        %dma_wait3A_414 = arith.constant 0 : i32
        %dma_wait3A_415 = tpu.memref_slice %arg7[%dma_wait3A_411, %dma_wait3A_413, %dma_wait3A_414] : memref<4x104x128xf32, #tpu.memory_space<vmem>> -> memref<1x104x128xf32, #tpu.memory_space<vmem>>
        %dma_wait3A_416 = tpu.memref_squeeze %dma_wait3A_415 : memref<1x104x128xf32, #tpu.memory_space<vmem>> -> memref<104x128xf32, #tpu.memory_space<vmem>>
        %dma_wait3A_417 = arith.constant 0 : i32
        %dma_wait3A_418 = arith.constant 0 : i32
        %dma_wait3A_419 = tpu.memref_slice %dma_wait3A_416[%dma_wait3A_417, %dma_wait3A_418] : memref<104x128xf32, #tpu.memory_space<vmem>> -> memref<104x128xf32, #tpu.memory_space<vmem>>
        %dma_wait3A_420 = arith.constant 0 : i32
        %dma_wait3A_421 = arith.constant 0 : i32
        %dma_wait3A_422 = tpu.memref_slice %arg5[%dma_wait3A_412, %dma_wait3A_420, %dma_wait3A_421] : memref<4096x200x128xf32, #tpu.memory_space<hbm>> -> memref<1x200x128xf32, #tpu.memory_space<hbm>>
        %dma_wait3A_423 = tpu.memref_squeeze %dma_wait3A_422 : memref<1x200x128xf32, #tpu.memory_space<hbm>> -> memref<200x128xf32, #tpu.memory_space<hbm>>
        %dma_wait3A_424 = arith.constant 0 : i32
        %dma_wait3A_425 = arith.constant 0 : i32
        %dma_wait3A_426 = tpu.memref_slice %dma_wait3A_423[%dma_wait3A_424, %dma_wait3A_425] : memref<200x128xf32, #tpu.memory_space<hbm>> -> memref<104x128xf32, #tpu.memory_space<hbm>>
        %dma_wait3A_427 = arith.constant 0 : i32
        %dma_wait3A_428 = arith.constant 0 : i32
        %dma_wait3A_429 = tpu.memref_slice %arg5[%dma_wait3A_412, %dma_wait3A_427, %dma_wait3A_428] : memref<4096x200x128xf32, #tpu.memory_space<hbm>> -> memref<1x200x128xf32, #tpu.memory_space<hbm>>
        %dma_wait3A_430 = tpu.memref_squeeze %dma_wait3A_429 : memref<1x200x128xf32, #tpu.memory_space<hbm>> -> memref<200x128xf32, #tpu.memory_space<hbm>>
        %dma_wait3A_431 = arith.constant 0 : i32
        %dma_wait3A_432 = arith.constant 0 : i32
        %dma_wait3A_433 = tpu.memref_slice %dma_wait3A_430[%dma_wait3A_431, %dma_wait3A_432] : memref<200x128xf32, #tpu.memory_space<hbm>> -> memref<104x128xf32, #tpu.memory_space<hbm>>
        %dma_wait3A_434 = arith.constant 0 : i32
        %dma_wait3A_435 = arith.constant 0 : i32
        %dma_wait3A_436 = tpu.memref_slice %arg7[%dma_wait3A_411, %dma_wait3A_434, %dma_wait3A_435] : memref<4x104x128xf32, #tpu.memory_space<vmem>> -> memref<1x104x128xf32, #tpu.memory_space<vmem>>
        %dma_wait3A_437 = tpu.memref_squeeze %dma_wait3A_436 : memref<1x104x128xf32, #tpu.memory_space<vmem>> -> memref<104x128xf32, #tpu.memory_space<vmem>>
        %dma_wait3A_438 = arith.constant 0 : i32
        %dma_wait3A_439 = arith.constant 0 : i32
        %dma_wait3A_440 = tpu.memref_slice %dma_wait3A_437[%dma_wait3A_438, %dma_wait3A_439] : memref<104x128xf32, #tpu.memory_space<vmem>> -> memref<104x128xf32, #tpu.memory_space<vmem>>
        tpu.wait_dma2 semaphore(%arg14 : memref<!tpu.dma_semaphore, #tpu.memory_space<semaphore_mem>>) src(%dma_wait3A_440 : memref<104x128xf32, #tpu.memory_space<vmem>>) dst(%dma_wait3A_433 : memref<104x128xf32, #tpu.memory_space<hbm>>)
      } else {
      }
      %convert_element_type3A_358 = arith.extui %lt3A_354 : i1 to i32
      %cond3A_359 = arith.constant 0 : i32
      %cond3A_360 = arith.cmpi ne, %convert_element_type3A_358, %cond3A_359 : i32
      scf.if %cond3A_360 {
        %add3A_411 = arith.constant 1 : i32
        %add3A_412 = arith.addi %scan3A_154, %add3A_411 : i32
        %mul3A_413 = arith.constant 2 : i32
        %mul3A_414 = arith.muli %mul3A_413, %add3A_412 : i32
        %add3A_415 = arith.constant 0 : i32
        %add3A_416 = arith.addi %mul3A_414, %add3A_415 : i32
        %mul3A_417 = arith.constant 200 : i32
        %mul3A_418 = arith.muli %add3A_416, %mul3A_417 : i32
        %add3A_419 = arith.constant 96 : i32
        %add3A_420 = arith.addi %mul3A_418, %add3A_419 : i32
        %dma_start3A_421 = arith.constant 1 : i32
        %dma_start3A_422 = arith.constant 0 : i32
        %dma_start3A_423 = arith.constant 0 : i32
        %dma_start3A_424 = tpu.memref_slice %arg7[%dma_start3A_421, %dma_start3A_422, %dma_start3A_423] : memref<4x104x128xf32, #tpu.memory_space<vmem>> -> memref<1x104x128xf32, #tpu.memory_space<vmem>>
        %dma_start3A_425 = tpu.memref_squeeze %dma_start3A_424 : memref<1x104x128xf32, #tpu.memory_space<vmem>> -> memref<104x128xf32, #tpu.memory_space<vmem>>
        %dma_start3A_426 = arith.constant 0 : i32
        %dma_start3A_427 = arith.constant 0 : i32
        %dma_start3A_428 = tpu.memref_slice %dma_start3A_425[%dma_start3A_426, %dma_start3A_427] : memref<104x128xf32, #tpu.memory_space<vmem>> -> memref<104x128xf32, #tpu.memory_space<vmem>>
        %dma_start3A_429 = tpu.memref_slice %arg6[%add3A_420] : memref<25600xi32, #tpu.memory_space<vmem>> -> memref<104xi32, #tpu.memory_space<vmem>>
        %dma_start3A_430 = arith.constant 0 : i32
        %dma_start3A_431 = arith.constant 0 : i32
        %dma_start3A_432 = tpu.memref_slice %arg3[%dma_start3A_430, %dma_start3A_431] : memref<100000x128xf32, #tpu.memory_space<hbm>> -> memref<100000x128xf32, #tpu.memory_space<hbm>>
        tpu.enqueue_indirect_dma source(%dma_start3A_432 : memref<100000x128xf32, #tpu.memory_space<hbm>>) target(%dma_start3A_428 : memref<104x128xf32, #tpu.memory_space<vmem>>) offsets(%dma_start3A_429 : memref<104xi32, #tpu.memory_space<vmem>>) semaphore(%arg10 : memref<!tpu.dma_semaphore, #tpu.memory_space<semaphore_mem>>)
      } else {
      }
      %dma_wait3A_361 = arith.constant 3 : i32
      %dma_wait3A_362 = arith.constant 0 : i32
      %dma_wait3A_363 = arith.constant 0 : i32
      %dma_wait3A_364 = tpu.memref_slice %arg7[%dma_wait3A_361, %dma_wait3A_362, %dma_wait3A_363] : memref<4x104x128xf32, #tpu.memory_space<vmem>> -> memref<1x104x128xf32, #tpu.memory_space<vmem>>
      %dma_wait3A_365 = tpu.memref_squeeze %dma_wait3A_364 : memref<1x104x128xf32, #tpu.memory_space<vmem>> -> memref<104x128xf32, #tpu.memory_space<vmem>>
      %dma_wait3A_366 = arith.constant 0 : i32
      %dma_wait3A_367 = arith.constant 0 : i32
      %dma_wait3A_368 = tpu.memref_slice %dma_wait3A_365[%dma_wait3A_366, %dma_wait3A_367] : memref<104x128xf32, #tpu.memory_space<vmem>> -> memref<104x128xf32, #tpu.memory_space<vmem>>
      %dma_wait3A_369 = arith.constant 0 : i32
      %dma_wait3A_370 = tpu.memref_slice %arg6[%dma_wait3A_369] : memref<25600xi32, #tpu.memory_space<vmem>> -> memref<104xi32, #tpu.memory_space<vmem>>
      %dma_wait3A_371 = arith.constant 0 : i32
      %dma_wait3A_372 = arith.constant 0 : i32
      %dma_wait3A_373 = tpu.memref_slice %arg3[%dma_wait3A_371, %dma_wait3A_372] : memref<100000x128xf32, #tpu.memory_space<hbm>> -> memref<100000x128xf32, #tpu.memory_space<hbm>>
      tpu.wait_indirect_dma semaphore(%arg12 : memref<!tpu.dma_semaphore, #tpu.memory_space<semaphore_mem>>) src(%dma_wait3A_373 : memref<100000x128xf32, #tpu.memory_space<hbm>>) dst(%dma_wait3A_368 : memref<104x128xf32, #tpu.memory_space<vmem>>)
      %parallel_loop3A_374 = arith.constant 0 : i32
      %parallel_loop3A_375 = arith.constant 104 : i32
      %parallel_loop3A_376 = arith.constant 1 : i32
      scf.for %parallel_loop3A_411 = %parallel_loop3A_374 to %parallel_loop3A_375 step %parallel_loop3A_376  : i32 {
        %parallel_loop3A_412 = arith.constant 3 : i32
        %parallel_loop3A_413 = arith.index_cast %parallel_loop3A_412 : i32 to index
        %parallel_loop3A_414 = arith.index_cast %parallel_loop3A_411 : i32 to index
        %parallel_loop3A_415 = arith.constant 0 : index
        %parallel_loop3A_416 = tpu.vector_load %arg7[%parallel_loop3A_413, %parallel_loop3A_414, %parallel_loop3A_415] {strides = array<i32>} : memref<4x104x128xf32, #tpu.memory_space<vmem>>, vector<1x1x16xf32>,
        %parallel_loop3A_417 = vector.shape_cast %parallel_loop3A_416 : vector<1x1x16xf32> to vector<16xf32>
        %parallel_loop3A_418 = arith.constant 96 : i32
        %parallel_loop3A_419 = arith.addi %parallel_loop3A_418, %parallel_loop3A_411 : i32
        %parallel_loop3A_420 = arith.index_cast %parallel_loop3A_419 : i32 to index
        %parallel_loop3A_421 = arith.constant 0 : index
        %parallel_loop3A_422 = tpu.vector_load %arg8[%parallel_loop3A_420, %parallel_loop3A_421] {strides = array<i32>} : memref<200x128xf32, #tpu.memory_space<vmem>>, vector<1x16xf32>,
        %parallel_loop3A_423 = vector.shape_cast %parallel_loop3A_422 : vector<1x16xf32> to vector<16xf32>
        %parallel_loop3A_424 = arith.addf %parallel_loop3A_417, %parallel_loop3A_423 : vector<16xf32>
        %parallel_loop3A_425 = arith.constant 3 : i32
        %parallel_loop3A_426 = arith.index_cast %parallel_loop3A_425 : i32 to index
        %parallel_loop3A_427 = arith.index_cast %parallel_loop3A_411 : i32 to index
        %parallel_loop3A_428 = arith.constant 0 : index
        %parallel_loop3A_429 = tpu.vector_load %arg7[%parallel_loop3A_426, %parallel_loop3A_427, %parallel_loop3A_428] {strides = array<i32>} : memref<4x104x128xf32, #tpu.memory_space<vmem>>, vector<1x1x16xf32>,
        %parallel_loop3A_430 = vector.shape_cast %parallel_loop3A_429 : vector<1x1x16xf32> to vector<16xf32>
        %parallel_loop3A_431 = vector.shape_cast %parallel_loop3A_424 : vector<16xf32> to vector<1x1x16xf32>
        tpu.vector_store %arg7[%parallel_loop3A_426, %parallel_loop3A_427, %parallel_loop3A_428], %parallel_loop3A_431 {strides = array<i32>} : memref<4x104x128xf32, #tpu.memory_space<vmem>>, vector<1x1x16xf32>,
        %parallel_loop3A_432 = arith.constant 3 : i32
        %parallel_loop3A_433 = arith.index_cast %parallel_loop3A_432 : i32 to index
        %parallel_loop3A_434 = arith.index_cast %parallel_loop3A_411 : i32 to index
        %parallel_loop3A_435 = arith.constant 16 : index
        %parallel_loop3A_436 = tpu.vector_load %arg7[%parallel_loop3A_433, %parallel_loop3A_434, %parallel_loop3A_435] {strides = array<i32>} : memref<4x104x128xf32, #tpu.memory_space<vmem>>, vector<1x1x16xf32>,
        %parallel_loop3A_437 = vector.shape_cast %parallel_loop3A_436 : vector<1x1x16xf32> to vector<16xf32>
        %parallel_loop3A_438 = arith.constant 96 : i32
        %parallel_loop3A_439 = arith.addi %parallel_loop3A_438, %parallel_loop3A_411 : i32
        %parallel_loop3A_440 = arith.index_cast %parallel_loop3A_439 : i32 to index
        %parallel_loop3A_441 = arith.constant 16 : index
        %parallel_loop3A_442 = tpu.vector_load %arg8[%parallel_loop3A_440, %parallel_loop3A_441] {strides = array<i32>} : memref<200x128xf32, #tpu.memory_space<vmem>>, vector<1x16xf32>,
        %parallel_loop3A_443 = vector.shape_cast %parallel_loop3A_442 : vector<1x16xf32> to vector<16xf32>
        %parallel_loop3A_444 = arith.addf %parallel_loop3A_437, %parallel_loop3A_443 : vector<16xf32>
        %parallel_loop3A_445 = arith.constant 3 : i32
        %parallel_loop3A_446 = arith.index_cast %parallel_loop3A_445 : i32 to index
        %parallel_loop3A_447 = arith.index_cast %parallel_loop3A_411 : i32 to index
        %parallel_loop3A_448 = arith.constant 16 : index
        %parallel_loop3A_449 = tpu.vector_load %arg7[%parallel_loop3A_446, %parallel_loop3A_447, %parallel_loop3A_448] {strides = array<i32>} : memref<4x104x128xf32, #tpu.memory_space<vmem>>, vector<1x1x16xf32>,
        %parallel_loop3A_450 = vector.shape_cast %parallel_loop3A_449 : vector<1x1x16xf32> to vector<16xf32>
        %parallel_loop3A_451 = vector.shape_cast %parallel_loop3A_444 : vector<16xf32> to vector<1x1x16xf32>
        tpu.vector_store %arg7[%parallel_loop3A_446, %parallel_loop3A_447, %parallel_loop3A_448], %parallel_loop3A_451 {strides = array<i32>} : memref<4x104x128xf32, #tpu.memory_space<vmem>>, vector<1x1x16xf32>,
        %parallel_loop3A_452 = arith.constant 3 : i32
        %parallel_loop3A_453 = arith.index_cast %parallel_loop3A_452 : i32 to index
        %parallel_loop3A_454 = arith.index_cast %parallel_loop3A_411 : i32 to index
        %parallel_loop3A_455 = arith.constant 32 : index
        %parallel_loop3A_456 = tpu.vector_load %arg7[%parallel_loop3A_453, %parallel_loop3A_454, %parallel_loop3A_455] {strides = array<i32>} : memref<4x104x128xf32, #tpu.memory_space<vmem>>, vector<1x1x16xf32>,
        %parallel_loop3A_457 = vector.shape_cast %parallel_loop3A_456 : vector<1x1x16xf32> to vector<16xf32>
        %parallel_loop3A_458 = arith.constant 96 : i32
        %parallel_loop3A_459 = arith.addi %parallel_loop3A_458, %parallel_loop3A_411 : i32
        %parallel_loop3A_460 = arith.index_cast %parallel_loop3A_459 : i32 to index
        %parallel_loop3A_461 = arith.constant 32 : index
        %parallel_loop3A_462 = tpu.vector_load %arg8[%parallel_loop3A_460, %parallel_loop3A_461] {strides = array<i32>} : memref<200x128xf32, #tpu.memory_space<vmem>>, vector<1x16xf32>,
        %parallel_loop3A_463 = vector.shape_cast %parallel_loop3A_462 : vector<1x16xf32> to vector<16xf32>
        %parallel_loop3A_464 = arith.addf %parallel_loop3A_457, %parallel_loop3A_463 : vector<16xf32>
        %parallel_loop3A_465 = arith.constant 3 : i32
        %parallel_loop3A_466 = arith.index_cast %parallel_loop3A_465 : i32 to index
        %parallel_loop3A_467 = arith.index_cast %parallel_loop3A_411 : i32 to index
        %parallel_loop3A_468 = arith.constant 32 : index
        %parallel_loop3A_469 = tpu.vector_load %arg7[%parallel_loop3A_466, %parallel_loop3A_467, %parallel_loop3A_468] {strides = array<i32>} : memref<4x104x128xf32, #tpu.memory_space<vmem>>, vector<1x1x16xf32>,
        %parallel_loop3A_470 = vector.shape_cast %parallel_loop3A_469 : vector<1x1x16xf32> to vector<16xf32>
        %parallel_loop3A_471 = vector.shape_cast %parallel_loop3A_464 : vector<16xf32> to vector<1x1x16xf32>
        tpu.vector_store %arg7[%parallel_loop3A_466, %parallel_loop3A_467, %parallel_loop3A_468], %parallel_loop3A_471 {strides = array<i32>} : memref<4x104x128xf32, #tpu.memory_space<vmem>>, vector<1x1x16xf32>,
        %parallel_loop3A_472 = arith.constant 3 : i32
        %parallel_loop3A_473 = arith.index_cast %parallel_loop3A_472 : i32 to index
        %parallel_loop3A_474 = arith.index_cast %parallel_loop3A_411 : i32 to index
        %parallel_loop3A_475 = arith.constant 48 : index
        %parallel_loop3A_476 = tpu.vector_load %arg7[%parallel_loop3A_473, %parallel_loop3A_474, %parallel_loop3A_475] {strides = array<i32>} : memref<4x104x128xf32, #tpu.memory_space<vmem>>, vector<1x1x16xf32>,
        %parallel_loop3A_477 = vector.shape_cast %parallel_loop3A_476 : vector<1x1x16xf32> to vector<16xf32>
        %parallel_loop3A_478 = arith.constant 96 : i32
        %parallel_loop3A_479 = arith.addi %parallel_loop3A_478, %parallel_loop3A_411 : i32
        %parallel_loop3A_480 = arith.index_cast %parallel_loop3A_479 : i32 to index
        %parallel_loop3A_481 = arith.constant 48 : index
        %parallel_loop3A_482 = tpu.vector_load %arg8[%parallel_loop3A_480, %parallel_loop3A_481] {strides = array<i32>} : memref<200x128xf32, #tpu.memory_space<vmem>>, vector<1x16xf32>,
        %parallel_loop3A_483 = vector.shape_cast %parallel_loop3A_482 : vector<1x16xf32> to vector<16xf32>
        %parallel_loop3A_484 = arith.addf %parallel_loop3A_477, %parallel_loop3A_483 : vector<16xf32>
        %parallel_loop3A_485 = arith.constant 3 : i32
        %parallel_loop3A_486 = arith.index_cast %parallel_loop3A_485 : i32 to index
        %parallel_loop3A_487 = arith.index_cast %parallel_loop3A_411 : i32 to index
        %parallel_loop3A_488 = arith.constant 48 : index
        %parallel_loop3A_489 = tpu.vector_load %arg7[%parallel_loop3A_486, %parallel_loop3A_487, %parallel_loop3A_488] {strides = array<i32>} : memref<4x104x128xf32, #tpu.memory_space<vmem>>, vector<1x1x16xf32>,
        %parallel_loop3A_490 = vector.shape_cast %parallel_loop3A_489 : vector<1x1x16xf32> to vector<16xf32>
        %parallel_loop3A_491 = vector.shape_cast %parallel_loop3A_484 : vector<16xf32> to vector<1x1x16xf32>
        tpu.vector_store %arg7[%parallel_loop3A_486, %parallel_loop3A_487, %parallel_loop3A_488], %parallel_loop3A_491 {strides = array<i32>} : memref<4x104x128xf32, #tpu.memory_space<vmem>>, vector<1x1x16xf32>,
        %parallel_loop3A_492 = arith.constant 3 : i32
        %parallel_loop3A_493 = arith.index_cast %parallel_loop3A_492 : i32 to index
        %parallel_loop3A_494 = arith.index_cast %parallel_loop3A_411 : i32 to index
        %parallel_loop3A_495 = arith.constant 64 : index
        %parallel_loop3A_496 = tpu.vector_load %arg7[%parallel_loop3A_493, %parallel_loop3A_494, %parallel_loop3A_495] {strides = array<i32>} : memref<4x104x128xf32, #tpu.memory_space<vmem>>, vector<1x1x16xf32>,
        %parallel_loop3A_497 = vector.shape_cast %parallel_loop3A_496 : vector<1x1x16xf32> to vector<16xf32>
        %parallel_loop3A_498 = arith.constant 96 : i32
        %parallel_loop3A_499 = arith.addi %parallel_loop3A_498, %parallel_loop3A_411 : i32
        %parallel_loop3A_500 = arith.index_cast %parallel_loop3A_499 : i32 to index
        %parallel_loop3A_501 = arith.constant 64 : index
        %parallel_loop3A_502 = tpu.vector_load %arg8[%parallel_loop3A_500, %parallel_loop3A_501] {strides = array<i32>} : memref<200x128xf32, #tpu.memory_space<vmem>>, vector<1x16xf32>,
        %parallel_loop3A_503 = vector.shape_cast %parallel_loop3A_502 : vector<1x16xf32> to vector<16xf32>
        %parallel_loop3A_504 = arith.addf %parallel_loop3A_497, %parallel_loop3A_503 : vector<16xf32>
        %parallel_loop3A_505 = arith.constant 3 : i32
        %parallel_loop3A_506 = arith.index_cast %parallel_loop3A_505 : i32 to index
        %parallel_loop3A_507 = arith.index_cast %parallel_loop3A_411 : i32 to index
        %parallel_loop3A_508 = arith.constant 64 : index
        %parallel_loop3A_509 = tpu.vector_load %arg7[%parallel_loop3A_506, %parallel_loop3A_507, %parallel_loop3A_508] {strides = array<i32>} : memref<4x104x128xf32, #tpu.memory_space<vmem>>, vector<1x1x16xf32>,
        %parallel_loop3A_510 = vector.shape_cast %parallel_loop3A_509 : vector<1x1x16xf32> to vector<16xf32>
        %parallel_loop3A_511 = vector.shape_cast %parallel_loop3A_504 : vector<16xf32> to vector<1x1x16xf32>
        tpu.vector_store %arg7[%parallel_loop3A_506, %parallel_loop3A_507, %parallel_loop3A_508], %parallel_loop3A_511 {strides = array<i32>} : memref<4x104x128xf32, #tpu.memory_space<vmem>>, vector<1x1x16xf32>,
        %parallel_loop3A_512 = arith.constant 3 : i32
        %parallel_loop3A_513 = arith.index_cast %parallel_loop3A_512 : i32 to index
        %parallel_loop3A_514 = arith.index_cast %parallel_loop3A_411 : i32 to index
        %parallel_loop3A_515 = arith.constant 80 : index
        %parallel_loop3A_516 = tpu.vector_load %arg7[%parallel_loop3A_513, %parallel_loop3A_514, %parallel_loop3A_515] {strides = array<i32>} : memref<4x104x128xf32, #tpu.memory_space<vmem>>, vector<1x1x16xf32>,
        %parallel_loop3A_517 = vector.shape_cast %parallel_loop3A_516 : vector<1x1x16xf32> to vector<16xf32>
        %parallel_loop3A_518 = arith.constant 96 : i32
        %parallel_loop3A_519 = arith.addi %parallel_loop3A_518, %parallel_loop3A_411 : i32
        %parallel_loop3A_520 = arith.index_cast %parallel_loop3A_519 : i32 to index
        %parallel_loop3A_521 = arith.constant 80 : index
        %parallel_loop3A_522 = tpu.vector_load %arg8[%parallel_loop3A_520, %parallel_loop3A_521] {strides = array<i32>} : memref<200x128xf32, #tpu.memory_space<vmem>>, vector<1x16xf32>,
        %parallel_loop3A_523 = vector.shape_cast %parallel_loop3A_522 : vector<1x16xf32> to vector<16xf32>
        %parallel_loop3A_524 = arith.addf %parallel_loop3A_517, %parallel_loop3A_523 : vector<16xf32>
        %parallel_loop3A_525 = arith.constant 3 : i32
        %parallel_loop3A_526 = arith.index_cast %parallel_loop3A_525 : i32 to index
        %parallel_loop3A_527 = arith.index_cast %parallel_loop3A_411 : i32 to index
        %parallel_loop3A_528 = arith.constant 80 : index
        %parallel_loop3A_529 = tpu.vector_load %arg7[%parallel_loop3A_526, %parallel_loop3A_527, %parallel_loop3A_528] {strides = array<i32>} : memref<4x104x128xf32, #tpu.memory_space<vmem>>, vector<1x1x16xf32>,
        %parallel_loop3A_530 = vector.shape_cast %parallel_loop3A_529 : vector<1x1x16xf32> to vector<16xf32>
        %parallel_loop3A_531 = vector.shape_cast %parallel_loop3A_524 : vector<16xf32> to vector<1x1x16xf32>
        tpu.vector_store %arg7[%parallel_loop3A_526, %parallel_loop3A_527, %parallel_loop3A_528], %parallel_loop3A_531 {strides = array<i32>} : memref<4x104x128xf32, #tpu.memory_space<vmem>>, vector<1x1x16xf32>,
        %parallel_loop3A_532 = arith.constant 3 : i32
        %parallel_loop3A_533 = arith.index_cast %parallel_loop3A_532 : i32 to index
        %parallel_loop3A_534 = arith.index_cast %parallel_loop3A_411 : i32 to index
        %parallel_loop3A_535 = arith.constant 96 : index
        %parallel_loop3A_536 = tpu.vector_load %arg7[%parallel_loop3A_533, %parallel_loop3A_534, %parallel_loop3A_535] {strides = array<i32>} : memref<4x104x128xf32, #tpu.memory_space<vmem>>, vector<1x1x16xf32>,
        %parallel_loop3A_537 = vector.shape_cast %parallel_loop3A_536 : vector<1x1x16xf32> to vector<16xf32>
        %parallel_loop3A_538 = arith.constant 96 : i32
        %parallel_loop3A_539 = arith.addi %parallel_loop3A_538, %parallel_loop3A_411 : i32
        %parallel_loop3A_540 = arith.index_cast %parallel_loop3A_539 : i32 to index
        %parallel_loop3A_541 = arith.constant 96 : index
        %parallel_loop3A_542 = tpu.vector_load %arg8[%parallel_loop3A_540, %parallel_loop3A_541] {strides = array<i32>} : memref<200x128xf32, #tpu.memory_space<vmem>>, vector<1x16xf32>,
        %parallel_loop3A_543 = vector.shape_cast %parallel_loop3A_542 : vector<1x16xf32> to vector<16xf32>
        %parallel_loop3A_544 = arith.addf %parallel_loop3A_537, %parallel_loop3A_543 : vector<16xf32>
        %parallel_loop3A_545 = arith.constant 3 : i32
        %parallel_loop3A_546 = arith.index_cast %parallel_loop3A_545 : i32 to index
        %parallel_loop3A_547 = arith.index_cast %parallel_loop3A_411 : i32 to index
        %parallel_loop3A_548 = arith.constant 96 : index
        %parallel_loop3A_549 = tpu.vector_load %arg7[%parallel_loop3A_546, %parallel_loop3A_547, %parallel_loop3A_548] {strides = array<i32>} : memref<4x104x128xf32, #tpu.memory_space<vmem>>, vector<1x1x16xf32>,
        %parallel_loop3A_550 = vector.shape_cast %parallel_loop3A_549 : vector<1x1x16xf32> to vector<16xf32>
        %parallel_loop3A_551 = vector.shape_cast %parallel_loop3A_544 : vector<16xf32> to vector<1x1x16xf32>
        tpu.vector_store %arg7[%parallel_loop3A_546, %parallel_loop3A_547, %parallel_loop3A_548], %parallel_loop3A_551 {strides = array<i32>} : memref<4x104x128xf32, #tpu.memory_space<vmem>>, vector<1x1x16xf32>,
        %parallel_loop3A_552 = arith.constant 3 : i32
        %parallel_loop3A_553 = arith.index_cast %parallel_loop3A_552 : i32 to index
        %parallel_loop3A_554 = arith.index_cast %parallel_loop3A_411 : i32 to index
        %parallel_loop3A_555 = arith.constant 112 : index
        %parallel_loop3A_556 = tpu.vector_load %arg7[%parallel_loop3A_553, %parallel_loop3A_554, %parallel_loop3A_555] {strides = array<i32>} : memref<4x104x128xf32, #tpu.memory_space<vmem>>, vector<1x1x16xf32>,
        %parallel_loop3A_557 = vector.shape_cast %parallel_loop3A_556 : vector<1x1x16xf32> to vector<16xf32>
        %parallel_loop3A_558 = arith.constant 96 : i32
        %parallel_loop3A_559 = arith.addi %parallel_loop3A_558, %parallel_loop3A_411 : i32
        %parallel_loop3A_560 = arith.index_cast %parallel_loop3A_559 : i32 to index
        %parallel_loop3A_561 = arith.constant 112 : index
        %parallel_loop3A_562 = tpu.vector_load %arg8[%parallel_loop3A_560, %parallel_loop3A_561] {strides = array<i32>} : memref<200x128xf32, #tpu.memory_space<vmem>>, vector<1x16xf32>,
        %parallel_loop3A_563 = vector.shape_cast %parallel_loop3A_562 : vector<1x16xf32> to vector<16xf32>
        %parallel_loop3A_564 = arith.addf %parallel_loop3A_557, %parallel_loop3A_563 : vector<16xf32>
        %parallel_loop3A_565 = arith.constant 3 : i32
        %parallel_loop3A_566 = arith.index_cast %parallel_loop3A_565 : i32 to index
        %parallel_loop3A_567 = arith.index_cast %parallel_loop3A_411 : i32 to index
        %parallel_loop3A_568 = arith.constant 112 : index
        %parallel_loop3A_569 = tpu.vector_load %arg7[%parallel_loop3A_566, %parallel_loop3A_567, %parallel_loop3A_568] {strides = array<i32>} : memref<4x104x128xf32, #tpu.memory_space<vmem>>, vector<1x1x16xf32>,
        %parallel_loop3A_570 = vector.shape_cast %parallel_loop3A_569 : vector<1x1x16xf32> to vector<16xf32>
        %parallel_loop3A_571 = vector.shape_cast %parallel_loop3A_564 : vector<16xf32> to vector<1x1x16xf32>
        tpu.vector_store %arg7[%parallel_loop3A_566, %parallel_loop3A_567, %parallel_loop3A_568], %parallel_loop3A_571 {strides = array<i32>} : memref<4x104x128xf32, #tpu.memory_space<vmem>>, vector<1x1x16xf32>,
      } {sc.loop_unroll_factor = 4 : i64, sc.parallel_access}
      %mul3A_377 = arith.constant 2 : i32
      %mul3A_378 = arith.muli %mul3A_377, %scan3A_154 : i32
      %add3A_379 = arith.addi %mul3A_4, %mul3A_378 : i32
      %add3A_380 = arith.constant 1 : i32
      %add3A_381 = arith.addi %add3A_379, %add3A_380 : i32
      %dma_start3A_382 = arith.constant 3 : i32
      %dma_start3A_383 = arith.constant 0 : i32
      %dma_start3A_384 = arith.constant 0 : i32
      %dma_start3A_385 = tpu.memref_slice %arg7[%dma_start3A_382, %dma_start3A_383, %dma_start3A_384] : memref<4x104x128xf32, #tpu.memory_space<vmem>> -> memref<1x104x128xf32, #tpu.memory_space<vmem>>
      %dma_start3A_386 = tpu.memref_squeeze %dma_start3A_385 : memref<1x104x128xf32, #tpu.memory_space<vmem>> -> memref<104x128xf32, #tpu.memory_space<vmem>>
      %dma_start3A_387 = arith.constant 0 : i32
      %dma_start3A_388 = arith.constant 0 : i32
      %dma_start3A_389 = tpu.memref_slice %dma_start3A_386[%dma_start3A_387, %dma_start3A_388] : memref<104x128xf32, #tpu.memory_space<vmem>> -> memref<104x128xf32, #tpu.memory_space<vmem>>
      %dma_start3A_390 = arith.constant 0 : i32
      %dma_start3A_391 = arith.constant 0 : i32
      %dma_start3A_392 = tpu.memref_slice %arg5[%add3A_381, %dma_start3A_390, %dma_start3A_391] : memref<4096x200x128xf32, #tpu.memory_space<hbm>> -> memref<1x200x128xf32, #tpu.memory_space<hbm>>
      %dma_start3A_393 = tpu.memref_squeeze %dma_start3A_392 : memref<1x200x128xf32, #tpu.memory_space<hbm>> -> memref<200x128xf32, #tpu.memory_space<hbm>>
      %dma_start3A_394 = arith.constant 96 : i32
      %dma_start3A_395 = arith.constant 0 : i32
      %dma_start3A_396 = tpu.memref_slice %dma_start3A_393[%dma_start3A_394, %dma_start3A_395] : memref<200x128xf32, #tpu.memory_space<hbm>> -> memref<104x128xf32, #tpu.memory_space<hbm>>
      %dma_start3A_397 = arith.constant 0 : i32
      %dma_start3A_398 = arith.constant 0 : i32
      %dma_start3A_399 = tpu.memref_slice %arg5[%add3A_381, %dma_start3A_397, %dma_start3A_398] : memref<4096x200x128xf32, #tpu.memory_space<hbm>> -> memref<1x200x128xf32, #tpu.memory_space<hbm>>
      %dma_start3A_400 = tpu.memref_squeeze %dma_start3A_399 : memref<1x200x128xf32, #tpu.memory_space<hbm>> -> memref<200x128xf32, #tpu.memory_space<hbm>>
      %dma_start3A_401 = arith.constant 96 : i32
      %dma_start3A_402 = arith.constant 0 : i32
      %dma_start3A_403 = tpu.memref_slice %dma_start3A_400[%dma_start3A_401, %dma_start3A_402] : memref<200x128xf32, #tpu.memory_space<hbm>> -> memref<104x128xf32, #tpu.memory_space<hbm>>
      %dma_start3A_404 = arith.constant 0 : i32
      %dma_start3A_405 = arith.constant 0 : i32
      %dma_start3A_406 = tpu.memref_slice %arg7[%dma_start3A_382, %dma_start3A_404, %dma_start3A_405] : memref<4x104x128xf32, #tpu.memory_space<vmem>> -> memref<1x104x128xf32, #tpu.memory_space<vmem>>
      %dma_start3A_407 = tpu.memref_squeeze %dma_start3A_406 : memref<1x104x128xf32, #tpu.memory_space<vmem>> -> memref<104x128xf32, #tpu.memory_space<vmem>>
      %dma_start3A_408 = arith.constant 0 : i32
      %dma_start3A_409 = arith.constant 0 : i32
      %dma_start3A_410 = tpu.memref_slice %dma_start3A_407[%dma_start3A_408, %dma_start3A_409] : memref<104x128xf32, #tpu.memory_space<vmem>> -> memref<104x128xf32, #tpu.memory_space<vmem>>
      tpu.enqueue_dma source(%dma_start3A_410 : memref<104x128xf32, #tpu.memory_space<vmem>>) target(%dma_start3A_403 : memref<104x128xf32, #tpu.memory_space<hbm>>) target_semaphore(%arg16 : memref<!tpu.dma_semaphore, #tpu.memory_space<semaphore_mem>>)
    }
    %scan3A_34 = arith.constant 64 : i32
    %dma_wait3A = arith.constant 0 : i32
    %dma_wait3A_35 = arith.constant 0 : i32
    %dma_wait3A_36 = arith.constant 0 : i32
    %dma_wait3A_37 = arith.constant 0 : i32
    %dma_wait3A_38 = tpu.memref_slice %arg7[%dma_wait3A, %dma_wait3A_36, %dma_wait3A_37] : memref<4x104x128xf32, #tpu.memory_space<vmem>> -> memref<1x104x128xf32, #tpu.memory_space<vmem>>
    %dma_wait3A_39 = tpu.memref_squeeze %dma_wait3A_38 : memref<1x104x128xf32, #tpu.memory_space<vmem>> -> memref<104x128xf32, #tpu.memory_space<vmem>>
    %dma_wait3A_40 = arith.constant 0 : i32
    %dma_wait3A_41 = arith.constant 0 : i32
    %dma_wait3A_42 = tpu.memref_slice %dma_wait3A_39[%dma_wait3A_40, %dma_wait3A_41] : memref<104x128xf32, #tpu.memory_space<vmem>> -> memref<96x128xf32, #tpu.memory_space<vmem>>
    %dma_wait3A_43 = arith.constant 0 : i32
    %dma_wait3A_44 = arith.constant 0 : i32
    %dma_wait3A_45 = tpu.memref_slice %arg5[%dma_wait3A_35, %dma_wait3A_43, %dma_wait3A_44] : memref<4096x200x128xf32, #tpu.memory_space<hbm>> -> memref<1x200x128xf32, #tpu.memory_space<hbm>>
    %dma_wait3A_46 = tpu.memref_squeeze %dma_wait3A_45 : memref<1x200x128xf32, #tpu.memory_space<hbm>> -> memref<200x128xf32, #tpu.memory_space<hbm>>
    %dma_wait3A_47 = arith.constant 0 : i32
    %dma_wait3A_48 = arith.constant 0 : i32
    %dma_wait3A_49 = tpu.memref_slice %dma_wait3A_46[%dma_wait3A_47, %dma_wait3A_48] : memref<200x128xf32, #tpu.memory_space<hbm>> -> memref<96x128xf32, #tpu.memory_space<hbm>>
    %dma_wait3A_50 = arith.constant 0 : i32
    %dma_wait3A_51 = arith.constant 0 : i32
    %dma_wait3A_52 = tpu.memref_slice %arg5[%dma_wait3A_35, %dma_wait3A_50, %dma_wait3A_51] : memref<4096x200x128xf32, #tpu.memory_space<hbm>> -> memref<1x200x128xf32, #tpu.memory_space<hbm>>
    %dma_wait3A_53 = tpu.memref_squeeze %dma_wait3A_52 : memref<1x200x128xf32, #tpu.memory_space<hbm>> -> memref<200x128xf32, #tpu.memory_space<hbm>>
    %dma_wait3A_54 = arith.constant 0 : i32
    %dma_wait3A_55 = arith.constant 0 : i32
    %dma_wait3A_56 = tpu.memref_slice %dma_wait3A_53[%dma_wait3A_54, %dma_wait3A_55] : memref<200x128xf32, #tpu.memory_space<hbm>> -> memref<96x128xf32, #tpu.memory_space<hbm>>
    %dma_wait3A_57 = arith.constant 0 : i32
    %dma_wait3A_58 = arith.constant 0 : i32
    %dma_wait3A_59 = tpu.memref_slice %arg7[%dma_wait3A, %dma_wait3A_57, %dma_wait3A_58] : memref<4x104x128xf32, #tpu.memory_space<vmem>> -> memref<1x104x128xf32, #tpu.memory_space<vmem>>
    %dma_wait3A_60 = tpu.memref_squeeze %dma_wait3A_59 : memref<1x104x128xf32, #tpu.memory_space<vmem>> -> memref<104x128xf32, #tpu.memory_space<vmem>>
    %dma_wait3A_61 = arith.constant 0 : i32
    %dma_wait3A_62 = arith.constant 0 : i32
    %dma_wait3A_63 = tpu.memref_slice %dma_wait3A_60[%dma_wait3A_61, %dma_wait3A_62] : memref<104x128xf32, #tpu.memory_space<vmem>> -> memref<96x128xf32, #tpu.memory_space<vmem>>
    tpu.wait_dma2 semaphore(%arg13 : memref<!tpu.dma_semaphore, #tpu.memory_space<semaphore_mem>>) src(%dma_wait3A_63 : memref<96x128xf32, #tpu.memory_space<vmem>>) dst(%dma_wait3A_56 : memref<96x128xf32, #tpu.memory_space<hbm>>)
    %dma_wait3A_64 = arith.constant 1 : i32
    %dma_wait3A_65 = arith.constant 0 : i32
    %dma_wait3A_66 = arith.constant 0 : i32
    %dma_wait3A_67 = arith.constant 0 : i32
    %dma_wait3A_68 = tpu.memref_slice %arg7[%dma_wait3A_64, %dma_wait3A_66, %dma_wait3A_67] : memref<4x104x128xf32, #tpu.memory_space<vmem>> -> memref<1x104x128xf32, #tpu.memory_space<vmem>>
    %dma_wait3A_69 = tpu.memref_squeeze %dma_wait3A_68 : memref<1x104x128xf32, #tpu.memory_space<vmem>> -> memref<104x128xf32, #tpu.memory_space<vmem>>
    %dma_wait3A_70 = arith.constant 0 : i32
    %dma_wait3A_71 = arith.constant 0 : i32
    %dma_wait3A_72 = tpu.memref_slice %dma_wait3A_69[%dma_wait3A_70, %dma_wait3A_71] : memref<104x128xf32, #tpu.memory_space<vmem>> -> memref<104x128xf32, #tpu.memory_space<vmem>>
    %dma_wait3A_73 = arith.constant 0 : i32
    %dma_wait3A_74 = arith.constant 0 : i32
    %dma_wait3A_75 = tpu.memref_slice %arg5[%dma_wait3A_65, %dma_wait3A_73, %dma_wait3A_74] : memref<4096x200x128xf32, #tpu.memory_space<hbm>> -> memref<1x200x128xf32, #tpu.memory_space<hbm>>
    %dma_wait3A_76 = tpu.memref_squeeze %dma_wait3A_75 : memref<1x200x128xf32, #tpu.memory_space<hbm>> -> memref<200x128xf32, #tpu.memory_space<hbm>>
    %dma_wait3A_77 = arith.constant 0 : i32
    %dma_wait3A_78 = arith.constant 0 : i32
    %dma_wait3A_79 = tpu.memref_slice %dma_wait3A_76[%dma_wait3A_77, %dma_wait3A_78] : memref<200x128xf32, #tpu.memory_space<hbm>> -> memref<104x128xf32, #tpu.memory_space<hbm>>
    %dma_wait3A_80 = arith.constant 0 : i32
    %dma_wait3A_81 = arith.constant 0 : i32
    %dma_wait3A_82 = tpu.memref_slice %arg5[%dma_wait3A_65, %dma_wait3A_80, %dma_wait3A_81] : memref<4096x200x128xf32, #tpu.memory_space<hbm>> -> memref<1x200x128xf32, #tpu.memory_space<hbm>>
    %dma_wait3A_83 = tpu.memref_squeeze %dma_wait3A_82 : memref<1x200x128xf32, #tpu.memory_space<hbm>> -> memref<200x128xf32, #tpu.memory_space<hbm>>
    %dma_wait3A_84 = arith.constant 0 : i32
    %dma_wait3A_85 = arith.constant 0 : i32
    %dma_wait3A_86 = tpu.memref_slice %dma_wait3A_83[%dma_wait3A_84, %dma_wait3A_85] : memref<200x128xf32, #tpu.memory_space<hbm>> -> memref<104x128xf32, #tpu.memory_space<hbm>>
    %dma_wait3A_87 = arith.constant 0 : i32
    %dma_wait3A_88 = arith.constant 0 : i32
    %dma_wait3A_89 = tpu.memref_slice %arg7[%dma_wait3A_64, %dma_wait3A_87, %dma_wait3A_88] : memref<4x104x128xf32, #tpu.memory_space<vmem>> -> memref<1x104x128xf32, #tpu.memory_space<vmem>>
    %dma_wait3A_90 = tpu.memref_squeeze %dma_wait3A_89 : memref<1x104x128xf32, #tpu.memory_space<vmem>> -> memref<104x128xf32, #tpu.memory_space<vmem>>
    %dma_wait3A_91 = arith.constant 0 : i32
    %dma_wait3A_92 = arith.constant 0 : i32
    %dma_wait3A_93 = tpu.memref_slice %dma_wait3A_90[%dma_wait3A_91, %dma_wait3A_92] : memref<104x128xf32, #tpu.memory_space<vmem>> -> memref<104x128xf32, #tpu.memory_space<vmem>>
    tpu.wait_dma2 semaphore(%arg14 : memref<!tpu.dma_semaphore, #tpu.memory_space<semaphore_mem>>) src(%dma_wait3A_93 : memref<104x128xf32, #tpu.memory_space<vmem>>) dst(%dma_wait3A_86 : memref<104x128xf32, #tpu.memory_space<hbm>>)
    %dma_wait3A_94 = arith.constant 2 : i32
    %dma_wait3A_95 = arith.constant 0 : i32
    %dma_wait3A_96 = arith.constant 0 : i32
    %dma_wait3A_97 = arith.constant 0 : i32
    %dma_wait3A_98 = tpu.memref_slice %arg7[%dma_wait3A_94, %dma_wait3A_96, %dma_wait3A_97] : memref<4x104x128xf32, #tpu.memory_space<vmem>> -> memref<1x104x128xf32, #tpu.memory_space<vmem>>
    %dma_wait3A_99 = tpu.memref_squeeze %dma_wait3A_98 : memref<1x104x128xf32, #tpu.memory_space<vmem>> -> memref<104x128xf32, #tpu.memory_space<vmem>>
    %dma_wait3A_100 = arith.constant 0 : i32
    %dma_wait3A_101 = arith.constant 0 : i32
    %dma_wait3A_102 = tpu.memref_slice %dma_wait3A_99[%dma_wait3A_100, %dma_wait3A_101] : memref<104x128xf32, #tpu.memory_space<vmem>> -> memref<96x128xf32, #tpu.memory_space<vmem>>
    %dma_wait3A_103 = arith.constant 0 : i32
    %dma_wait3A_104 = arith.constant 0 : i32
    %dma_wait3A_105 = tpu.memref_slice %arg5[%dma_wait3A_95, %dma_wait3A_103, %dma_wait3A_104] : memref<4096x200x128xf32, #tpu.memory_space<hbm>> -> memref<1x200x128xf32, #tpu.memory_space<hbm>>
    %dma_wait3A_106 = tpu.memref_squeeze %dma_wait3A_105 : memref<1x200x128xf32, #tpu.memory_space<hbm>> -> memref<200x128xf32, #tpu.memory_space<hbm>>
    %dma_wait3A_107 = arith.constant 0 : i32
    %dma_wait3A_108 = arith.constant 0 : i32
    %dma_wait3A_109 = tpu.memref_slice %dma_wait3A_106[%dma_wait3A_107, %dma_wait3A_108] : memref<200x128xf32, #tpu.memory_space<hbm>> -> memref<96x128xf32, #tpu.memory_space<hbm>>
    %dma_wait3A_110 = arith.constant 0 : i32
    %dma_wait3A_111 = arith.constant 0 : i32
    %dma_wait3A_112 = tpu.memref_slice %arg5[%dma_wait3A_95, %dma_wait3A_110, %dma_wait3A_111] : memref<4096x200x128xf32, #tpu.memory_space<hbm>> -> memref<1x200x128xf32, #tpu.memory_space<hbm>>
    %dma_wait3A_113 = tpu.memref_squeeze %dma_wait3A_112 : memref<1x200x128xf32, #tpu.memory_space<hbm>> -> memref<200x128xf32, #tpu.memory_space<hbm>>
    %dma_wait3A_114 = arith.constant 0 : i32
    %dma_wait3A_115 = arith.constant 0 : i32
    %dma_wait3A_116 = tpu.memref_slice %dma_wait3A_113[%dma_wait3A_114, %dma_wait3A_115] : memref<200x128xf32, #tpu.memory_space<hbm>> -> memref<96x128xf32, #tpu.memory_space<hbm>>
    %dma_wait3A_117 = arith.constant 0 : i32
    %dma_wait3A_118 = arith.constant 0 : i32
    %dma_wait3A_119 = tpu.memref_slice %arg7[%dma_wait3A_94, %dma_wait3A_117, %dma_wait3A_118] : memref<4x104x128xf32, #tpu.memory_space<vmem>> -> memref<1x104x128xf32, #tpu.memory_space<vmem>>
    %dma_wait3A_120 = tpu.memref_squeeze %dma_wait3A_119 : memref<1x104x128xf32, #tpu.memory_space<vmem>> -> memref<104x128xf32, #tpu.memory_space<vmem>>
    %dma_wait3A_121 = arith.constant 0 : i32
    %dma_wait3A_122 = arith.constant 0 : i32
    %dma_wait3A_123 = tpu.memref_slice %dma_wait3A_120[%dma_wait3A_121, %dma_wait3A_122] : memref<104x128xf32, #tpu.memory_space<vmem>> -> memref<96x128xf32, #tpu.memory_space<vmem>>
    tpu.wait_dma2 semaphore(%arg15 : memref<!tpu.dma_semaphore, #tpu.memory_space<semaphore_mem>>) src(%dma_wait3A_123 : memref<96x128xf32, #tpu.memory_space<vmem>>) dst(%dma_wait3A_116 : memref<96x128xf32, #tpu.memory_space<hbm>>)
    %dma_wait3A_124 = arith.constant 3 : i32
    %dma_wait3A_125 = arith.constant 0 : i32
    %dma_wait3A_126 = arith.constant 0 : i32
    %dma_wait3A_127 = arith.constant 0 : i32
    %dma_wait3A_128 = tpu.memref_slice %arg7[%dma_wait3A_124, %dma_wait3A_126, %dma_wait3A_127] : memref<4x104x128xf32, #tpu.memory_space<vmem>> -> memref<1x104x128xf32, #tpu.memory_space<vmem>>
    %dma_wait3A_129 = tpu.memref_squeeze %dma_wait3A_128 : memref<1x104x128xf32, #tpu.memory_space<vmem>> -> memref<104x128xf32, #tpu.memory_space<vmem>>
    %dma_wait3A_130 = arith.constant 0 : i32
    %dma_wait3A_131 = arith.constant 0 : i32
    %dma_wait3A_132 = tpu.memref_slice %dma_wait3A_129[%dma_wait3A_130, %dma_wait3A_131] : memref<104x128xf32, #tpu.memory_space<vmem>> -> memref<104x128xf32, #tpu.memory_space<vmem>>
    %dma_wait3A_133 = arith.constant 0 : i32
    %dma_wait3A_134 = arith.constant 0 : i32
    %dma_wait3A_135 = tpu.memref_slice %arg5[%dma_wait3A_125, %dma_wait3A_133, %dma_wait3A_134] : memref<4096x200x128xf32, #tpu.memory_space<hbm>> -> memref<1x200x128xf32, #tpu.memory_space<hbm>>
    %dma_wait3A_136 = tpu.memref_squeeze %dma_wait3A_135 : memref<1x200x128xf32, #tpu.memory_space<hbm>> -> memref<200x128xf32, #tpu.memory_space<hbm>>
    %dma_wait3A_137 = arith.constant 0 : i32
    %dma_wait3A_138 = arith.constant 0 : i32
    %dma_wait3A_139 = tpu.memref_slice %dma_wait3A_136[%dma_wait3A_137, %dma_wait3A_138] : memref<200x128xf32, #tpu.memory_space<hbm>> -> memref<104x128xf32, #tpu.memory_space<hbm>>
    %dma_wait3A_140 = arith.constant 0 : i32
    %dma_wait3A_141 = arith.constant 0 : i32
    %dma_wait3A_142 = tpu.memref_slice %arg5[%dma_wait3A_125, %dma_wait3A_140, %dma_wait3A_141] : memref<4096x200x128xf32, #tpu.memory_space<hbm>> -> memref<1x200x128xf32, #tpu.memory_space<hbm>>
    %dma_wait3A_143 = tpu.memref_squeeze %dma_wait3A_142 : memref<1x200x128xf32, #tpu.memory_space<hbm>> -> memref<200x128xf32, #tpu.memory_space<hbm>>
    %dma_wait3A_144 = arith.constant 0 : i32
    %dma_wait3A_145 = arith.constant 0 : i32
    %dma_wait3A_146 = tpu.memref_slice %dma_wait3A_143[%dma_wait3A_144, %dma_wait3A_145] : memref<200x128xf32, #tpu.memory_space<hbm>> -> memref<104x128xf32, #tpu.memory_space<hbm>>
    %dma_wait3A_147 = arith.constant 0 : i32
    %dma_wait3A_148 = arith.constant 0 : i32
    %dma_wait3A_149 = tpu.memref_slice %arg7[%dma_wait3A_124, %dma_wait3A_147, %dma_wait3A_148] : memref<4x104x128xf32, #tpu.memory_space<vmem>> -> memref<1x104x128xf32, #tpu.memory_space<vmem>>
    %dma_wait3A_150 = tpu.memref_squeeze %dma_wait3A_149 : memref<1x104x128xf32, #tpu.memory_space<vmem>> -> memref<104x128xf32, #tpu.memory_space<vmem>>
    %dma_wait3A_151 = arith.constant 0 : i32
    %dma_wait3A_152 = arith.constant 0 : i32
    %dma_wait3A_153 = tpu.memref_slice %dma_wait3A_150[%dma_wait3A_151, %dma_wait3A_152] : memref<104x128xf32, #tpu.memory_space<vmem>> -> memref<104x128xf32, #tpu.memory_space<vmem>>
    tpu.wait_dma2 semaphore(%arg16 : memref<!tpu.dma_semaphore, #tpu.memory_space<semaphore_mem>>) src(%dma_wait3A_153 : memref<104x128xf32, #tpu.memory_space<vmem>>) dst(%dma_wait3A_146 : memref<104x128xf32, #tpu.memory_space<hbm>>)
    return
  }
}

</mosaic_0001>

<sc_bundles>
// kernel: kernel.3.cloned.1.call-start
scs
__scs_entry_jumppad:
0x0: {  	(pc) =	sbr.rel $0x88, $3  }
0x1: {  	(tag) =	ssettag $0x0;
	lr =	simm.s32 $0x1  }
0x2: {  	[smem:$0x3F9E] =	sst lr;
	_ =	strace $0xD0000000  }
0x3: {  	_ = 	snop  }
0x4: {  	_ = 	snop  }
0x5: {  	_ = 	snop  }
0x6: {  	_ = 	snop  }
0x7: {  	_ = 	snop  }
__scs_overlays_trampoline_lowered:
0x8: {  	[smem:$0x3FAD] =	sst s0  }
0x9: {  	[smem:$0x3FAE] =	sst s1  }
0xa: {  	[smem:$0x3FAF] =	sst s2  }
0xb: {  	[smem:$0x3FB0] =	sst s3  }
0xc: {  	[smem:$0x3FB1] =	sst s4  }
0xd: {  	[smem:$0x3FB2] =	sst s5  }
0xe: {  	[smem:$0x3FB3] =	sst s6  }
0xf: {  	[smem:$0x3FB4] =	sst s7  }
0x10: {  	[smem:$0x3FB5] =	sst s8  }
0x11: {  	[smem:$0x3FB6] =	sst s9;
	s0 =	simm.s32 @!p0 $0x0  }
0x12: {  	s1 =	sld [smem:$0x3F9C];
	s0 =	simm.s32 @p0 $0x1  }
0x13: {  	[smem:$0x3FB7] =	sst s0;
	s0 =	simm.s32 @!p1 $0x0  }
0x14: {  	s2 =	sld [smem:$0x3F9B];
	s0 =	simm.s32 @p1 $0x1  }
0x15: {  	[smem:$0x3FB8] =	sst s0;
	s0 =	simm.s32 @!p2 $0x0  }
0x16: {  	s3 =	sld [smem:$0x3FDB];
	s0 =	simm.s32 @p2 $0x1  }
0x17: {  	s4 =	simm.s32 $0x1BF5;
	[smem:$0x3FBA] =	sst s0  }
0x18: {  	s0 =	sld [smem:$0x3F9D];
	_ =	swait.ge [sflag:s4], $0x0  }
0x19: {  	s7 =	sld [smem:$0x3F9E]  }
0x1a: {  	s8 =	sadd.s32 $0xFFFFE003, lr  }
0x1b: {  	s9 =	sadd.s32 $0xFFFFFEF7, lr;
	s5 =	simm.s32 $0xFFFFFFFF;
	p2 =	slt.u32 s8, $0xFFFFF086  }
0x1c: {  	p1 =	slt.u32 s9, $0xF7A;
	s5 =	simm.s32 @!p2 $0x0  }
0x1d: {  	s5 =	simm.s32 @p1 $0x1;
	p0 =	seq.s32 s7, s2  }
0x1e: {  	s7 =	smul.u32 @!p0 $0xF7A, s2;
	p2 =	seq.s32 @!p0 s5, $0x0  }
0x1f: {  	s9 =	smul.u32 $0xF7A, s1;
	s8 =	simm.s32 @!p0 $0x1BF5;
	p2 =	por !p2, p0  }
0x20: {  	[sflag:s8] =	ssyncset.s32 @!p0 $0xFFFFF086;
	s6 =	sadd.s32 @!p0 s3, s7;
	s7 =	simm.s32 @!p0 $0x108  }
0x21: {  	s3 =	sadd.s32 s3, s9;
	s6 =	sadd.s32 @!p0 $0x88, s6;
	s7 =	simm.s32 @p2 $0x1082  }
0x22: {  	[simem:s7], [sflag:s8] =	dma.local @!p0 [hbm:s6], $0xF7A  }
0x23: {  	s9 =	sor.u32 $0xD0000000, s2;
	s6 =	simm.s32 $0x108;
	_ =	swait.ge @!p0 [sflag:s8], $0x0  }
0x24: {  	s3 =	sadd.s32 $0x88, s3;
	s6 =	simm.s32 @!p1 $0x1082;
	[sflag:s4] =	ssyncset.s32 $0xFFFFF086  }
0x25: {  	[simem:s6], [sflag:s4] =	dma.local [hbm:s3], $0xF7A  }
0x26: {  	[smem:$0x3F9E] =	sst s1;
	(tag) =	ssettag s2;
	_ =	strace s9  }
0x27: {  	s1 =	sld [smem:$0x3FAE]  }
0x28: {  	s2 =	sld [smem:$0x3FAF]  }
0x29: {  	s4 =	sld [smem:$0x3FB1]  }
0x2a: {  	p0 =	seq.s32 s5, $0x0;
	s5 =	sld [smem:$0x3FB2]  }
0x2b: {  	s6 =	sld [smem:$0x3FB3]  }
0x2c: {  	s7 =	sld [smem:$0x3FB4]  }
0x2d: {  	s3 =	simm.s32 $0x108;
	s8 =	sld [smem:$0x3FB5]  }
0x2e: {  	s3 =	simm.s32 @!p0 $0x1082;
	s9 =	sld [smem:$0x3FB6]  }
0x2f: {  	lr =	sadd.s32 s0, s3;
	s0 =	sld [smem:$0x3FAD]  }
0x30: {  	s3 =	sld [smem:$0x3FB0]  }
0x31: {  	[smem:$0x3FB9] =	sst s10  }
0x32: {  	s10 =	sld [smem:$0x3FB7];
	_ =	sdelay $0x3  }
0x33: {  	p0 =	seq.s32 s10, $0x1;
	s10 =	sld [smem:$0x3FB9];
	_ =	sdelay $0x3  }
0x34: {  	[smem:$0x3FB9] =	sst s10  }
0x35: {  	s10 =	sld [smem:$0x3FB8];
	_ =	sdelay $0x3  }
0x36: {  	p1 =	seq.s32 s10, $0x1;
	s10 =	sld [smem:$0x3FB9];
	_ =	sdelay $0x3  }
0x37: {  	[smem:$0x3FB9] =	sst s10  }
0x38: {  	s10 =	sld [smem:$0x3FBA]  }
0x39: {  	_ = 	snop;
	(pc) =	sbr.ind lr, $3  }
0x3a: {  	_ = 	snop  }
0x3b: {  	_ = 	snop  }
0x3c: {  	p2 =	seq.s32 s10, $0x1;
	s10 =	sld [smem:$0x3FB9]  }
0x3d: {  	_ =	shalt  }
0x3e: {  	_ =	shalt  }
0x3f: {  	_ =	shalt  }
0x40: {  	_ =	shalt  }
0x41: {  	_ =	shalt  }
0x42: {  	_ =	shalt  }
0x43: {  	_ =	shalt  }
0x44: {  	_ =	shalt  }
0x45: {  	_ =	shalt  }
0x46: {  	_ =	shalt  }
0x47: {  	_ =	shalt  }
0x48: {  	_ =	shalt  }
0x49: {  	_ =	shalt  }
0x4a: {  	_ =	shalt  }
0x4b: {  	_ =	shalt  }
0x4c: {  	_ =	shalt  }
0x4d: {  	_ =	shalt  }
0x4e: {  	_ =	shalt  }
0x4f: {  	_ =	shalt  }
0x50: {  	_ =	shalt  }
0x51: {  	_ =	shalt  }
0x52: {  	_ =	shalt  }
0x53: {  	_ =	shalt  }
0x54: {  	_ =	shalt  }
0x55: {  	_ =	shalt  }
0x56: {  	_ =	shalt  }
0x57: {  	_ =	shalt  }
0x58: {  	_ =	shalt  }
0x59: {  	_ =	shalt  }
0x5a: {  	_ =	shalt  }
0x5b: {  	_ =	shalt  }
0x5c: {  	_ =	shalt  }
0x5d: {  	_ =	shalt  }
0x5e: {  	_ =	shalt  }
0x5f: {  	_ =	shalt  }
0x60: {  	_ =	shalt  }
0x61: {  	_ =	shalt  }
0x62: {  	_ =	shalt  }
0x63: {  	_ =	shalt  }
0x64: {  	_ =	shalt  }
0x65: {  	_ =	shalt  }
0x66: {  	_ =	shalt  }
0x67: {  	_ =	shalt  }
0x68: {  	_ =	shalt  }
0x69: {  	_ =	shalt  }
0x6a: {  	_ =	shalt  }
0x6b: {  	_ =	shalt  }
0x6c: {  	_ =	shalt  }
0x6d: {  	_ =	shalt  }
0x6e: {  	_ =	shalt  }
0x6f: {  	_ =	shalt  }
0x70: {  	_ =	shalt  }
0x71: {  	_ =	shalt  }
0x72: {  	_ =	shalt  }
0x73: {  	_ =	shalt  }
0x74: {  	_ =	shalt  }
0x75: {  	_ =	shalt  }
0x76: {  	_ =	shalt  }
0x77: {  	_ =	shalt  }
0x78: {  	_ =	shalt  }
0x79: {  	_ =	shalt  }
0x7a: {  	_ =	shalt  }
0x7b: {  	_ =	shalt  }
0x7c: {  	_ =	shalt  }
0x7d: {  	_ =	shalt  }
0x7e: {  	_ =	shalt  }
0x7f: {  	_ =	shalt  }
0x80: {  	_ =	shalt  }
0x81: {  	_ =	shalt  }
0x82: {  	_ =	shalt  }
0x83: {  	_ =	shalt  }
0x84: {  	_ =	shalt  }
0x85: {  	_ =	shalt  }
0x86: {  	_ =	shalt  }
0x87: {  	_ =	shalt  }
.Lfunc_end0:
.L_simem_size_0:
called_computation_lowered:
.L_overlay_start_0:
0x88: {  	s2 =	sld [smem:$0x3FD9]  }
0x89: {  	s3 =	sld [smem:$0x3FFE];
	_ =	sdelay $0x1  }
0x8a: {  	s1 =	srdreg.scid  }
0x8b: {  	s0 =	sand.u32 $0x1, s1  }
0x8c: {  	s17 =	sshll.u32 s0, $0xA;
	s2 =	sadd.s32 s3, s2  }
0x8d: {  	s2 =	sadd.s32 s2, s17  }
0x8e: {  	[smem:$0x3FC5] =	sst s2  }
0x8f: {  	_ = 	snop  }
0x90: {  	s2 =	sld [smem:$0x3FC8]  }
0x91: {  	s18 =	sld [smem:$0x3FC7]  }
0x92: {  	s4 =	sld [smem:$0x3FD0];
	(tm) =	ssettm $0x1  }
0x93: {  	s5 =	sld [smem:$0x3FFB];
	_ =	sdelay $0x3  }
0x94: {  	_ =	strace s5  }
0x95: {  	s5 =	sld [smem:$0x3FFC];
	_ =	sdelay $0x3  }
0x96: {  	_ =	strace s5  }
0x97: {  	s5 =	sld [smem:$0x3FFD];
	_ =	sdelay $0x3  }
0x98: {  	_ =	strace s5  }
0x99: {  	_ =	strace $0x8FFFFFFF  }
0x9a: {  	s19 =	sld [smem:$0x3FDB];
	_ =	sdelay $0x1  }
0x9b: {  	s6 =	simm.s32 $_scs_section_size  }
0x9c: {  	s7 =	simm.s32 $_size__tile_overlayer_lowered;
	s8 =	simm.s32 $_tile_overlayer_lowered  }
0x9d: {  	s22 =	simm.s32 $0x1BFF;
	s21 =	sshll.u32 s8, $0x1;
	s5 =	sadd.s32 s6, s19  }
0x9e: {  	s9 =	simm.s32 $0x0;
	s20 =	sshll.u32 s7, $0x1;
	s7 =	sadd.s32 s21, s5  }
0x9f: {  	[timem:s9], [sflag:s22] =	dma.local [hbm:s7], s20  }
0xa0: {  	_ =	swait.ge [sflag:s22], s20  }
0xa1: {  	s6 =	ssub.s32 $0x0, s20;
	[sflag:s22] =	ssyncset.done $0x0  }
0xa2: {  	[sflag:s22] =	ssyncadd.s32 s6;
	_ =	sdelay $0x1  }
0xa3: {  	s23 =	simm.s32 $0x1B8B  }
0xa4: {  	_ =	swait.ge [sflag:s23], $0x1  }
0xa5: {  	[sflag:s23] =	ssyncset.done $0x0  }
0xa6: {  	s25 =	simm.s32 $0x1B8E;
	s24 =	sld [smem:$0x3FFE];
	[sflag:s23] =	ssyncadd.s32 $0xFFFFFFFF  }
0xa7: {  	s26 =	simm.s32 $execute0_lowered;
	[smem:$0x3FD2] =	sst s25  }
0xa8: {  	s7 =	sshll.u32 s26, $0x1;
	_ =	strace $0x80000046;
	[dreg:$0x1] =	wrdreg $0xFFFFFFFF  }
0xa9: {  	s28 =	simm.s32 $_size_execute0_lowered;
	s5 =	sadd.s32 s5, s7;
	[dreg:$0x0] =	wrdreg $0x0  }
0xaa: {  	s7 =	sshll.u32 s28, $0x1;
	[dreg:$0x2] =	wrdreg s5  }
0xab: {  	[dreg:$0x3] =	wrdreg s7  }
0xac: {  	[dreg:$0x4] =	wrdreg $0xC0  }
0xad: {  	_ =	task [dreg:s9], $0x5FFFF  }
0xae: {  	[dreg:$0x1] =	wrdreg $0xFFFFFFFF  }
0xaf: {  	[dreg:$0x0] =	wrdreg $0x60  }
0xb0: {  	[dreg:$0x2] =	wrdreg s24  }
0xb1: {  	[dreg:$0x3] =	wrdreg s2  }
0xb2: {  	[dreg:$0x4] =	wrdreg s18  }
0xb3: {  	[dreg:$0x5] =	wrdreg s4  }
0xb4: {  	[dreg:$0x6] =	wrdreg $0x9  }
0xb5: {  	_ =	task.clear_ibuf [dreg:s9], $0x7FFFF;
	_ =	strace $0x90000046  }
0xb6: {  	s29 =	simm.s32 $0x9;
	_ =	strace $0x80000048  }
0xb7: {  	_ =	swait.ge [sflag:s29], $0x1  }
0xb8: {  	[sflag:s29] =	ssyncadd.s32 $0xFFFFFFFF  }
0xb9: {  	_ =	strace $0x90000048  }
0xba: {  	_ =	sfence  }
0xbb: {  	s30 =	sld [smem:$0x0];
	_ =	sdelay $0x2  }
0xbc: {  	s31 =	sshll.u32 s1, $0xD;
	s1 =	sshrl.u32 s1, $0x2  }
0xbd: {  	s3 =	sand.u32 $0x4000, s31;
	s1 =	sadd.s32 s1, s30  }
0xbe: {  	s0 =	sor.u32 s3, s0;
	s1 =	sshll.u32 s1, $0x11  }
0xbf: {  	s0 =	sor.u32 s1, s0  }
0xc0: {  	s0 =	sadd.s32 $0x8F2B, s0  }
0xc1: {  	[sflag:s0] =	ssyncadd.remote.s32 $0x1  }
0xc2: {  	_ =	sfence.sel $0xFFFF  }
0xc3: {  	[dreg:$0x0] =	wrdreg $0xFFFFFFFF;
	(pc) =	sbr.abs _section_cstart, $3  }
0xc4: {  	[dreg:$0x1] =	wrdreg $0xFFFFFFFF  }
0xc5: {  	_ =	task.clear_ibuf [dreg:s9], $0x2FFFF;
	_ =	strace $0x9FFFFFFF  }
0xc6: {  	(tm) =	ssettm $0x7FFFFFFF  }
0xc7: {  	_ =	shalt  }
tec
execute0_lowered:
.L_overlay_start_1:
0x0: {  	(tag) =	ssettag $0x1  }
0x1: {  	s0 =	rddreg [dreg:$0x0]  }
0x2: {  	s1 =	rddreg [dreg:$0x1];
	s2 =	srdreg.scid  }
0x3: {  	s3 =	stileid.u32;
	s4 =	rddreg [dreg:$0x3];
	s5 =	simm.s32 $0x0  }
0x4: {  	s9 =	simm.s32 $0x13400;
	s10 =	simm.s32 $0x9;
	s11 =	simm.s32 $0x60  }
0x5: {  	s12 =	simm.s32 $0x6400;
	s13 =	simm.s32 $0x68;
	s14 =	simm.s32 $0x9800  }
0x6: {  	s15 =	simm.s32 $0xCC00;
	s16 =	simm.s32 $0x1;
	s17 =	simm.s32 $0x10000  }
0x7: {  	s18 =	simm.s32 $0x2;
	s19 =	simm.s32 $0x3;
	s20 =	simm.s32 $0x4  }
0x8: {  	s21 =	simm.s32 $0x5;
	s2 =	sand.u32 $0x1, s2;
	s3 =	sshll.u32 s3, $0x1  }
0x9: {  	s22 =	simm.s32 $0x6;
	s23 =	simm.s32 $0x7;
	s3 =	sor.u32 s2, s3  }
0xa: {  	s24 =	simm.s32 $0x8;
	s2 =	ssub.s32 $0x2, s2;
	s6 =	smul.u32 $0xC80, s3  }
0xb: {  	s25 =	simm.s32 $0x0;
	[smem:$0x7FF] =	sst s5;
	s31 =	sshrl.u32 s2, $0x1  }
0xc: {  	_ =	strace $0x80000047;
	s2 =	ssub.s32 s2, s31;
	s0 =	sadd.s32 s6, s0  }
0xd: {  	s6 =	sshll.u32 s3, $0x7;
	s8 =	smax.u32 s2, $0x1;
	s7 =	sadd.s32 $0x400, s0  }
.LBB2_1:
0xe: {  	s0 =	rddreg [dreg:$0x2]  }
0xf: {  	[tilespmem:s9], [sflag:$0x9] =	stream.linear.gather [hbm4b:s0+s5], $0x6400, $0x38;
	[tilespmem:$0x19800] =	vst v63  }
0x10: {  	_ =	swait.ge [sflag:s10], $0x6400  }
0x11: {  	[sflag:s10] =	ssyncset.done $0x0  }
0x12: {  	[sflag:s10] =	ssyncadd.s32 $0xFFFF9C00  }
0x13: {  	[tilespmem:s5], [sflag:$0x9] =	stream.linear.gather [hbm4b:s7+s5], $0x6400, $0x38;
	[tilespmem:$0x19800] =	vst v63  }
0x14: {  	_ =	swait.ge [sflag:s10], $0x6400  }
0x15: {  	[sflag:s10] =	ssyncset.done $0x0  }
0x16: {  	[sflag:s10] =	ssyncadd.s32 $0xFFFF9C00  }
0x17: {  	[tilespmem:s12], [sflag:$0x1] =	stream.indirect.gather [hbm4b:s1+s11], $0x80, s5, s11, $0xb8;
	[tilespmem:$0x19800] =	vst v63  }
0x18: {  	s26 =	simm.s32 $0x0  }
0x19: {  	[tilespmem:s14], [sflag:$0x2] =	stream.indirect.gather [hbm4b:s1+s13], $0x80, s11, s13, $0xb8;
	[tilespmem:$0x19800] =	vst v63  }
.LBB2_2:
0x1a: {  	p0 =	seq.s32 s26, $0x0  }
0x1b: {  	s2 =	smul.u32 $0x640, s26;
	s0 =	simm.s32 @!p0 $0x7  }
0x1c: {  	_ =	swait.ge @!p0 [sflag:s0], $0x3000  }
0x1d: {  	s28 =	sshra.s32 s2, $0x2;
	[sflag:s0] =	ssyncset.done @!p0 $0x0  }
0x1e: {  	s31 =	sadd.s32 $0xC8, s28;
	[sflag:s0] =	ssyncadd.s32 @!p0 $0xFFFFD000  }
0x1f: {  	[tilespmem:s15], [sflag:$0x3] =	stream.indirect.gather [hbm4b:s1+s11], $0x80, s31, s11, $0xb8;
	[tilespmem:$0x19800] =	vst v63  }
0x20: {  	_ =	swait.ge [sflag:s16], $0x3000  }
0x21: {  	[sflag:s16] =	ssyncset.done $0x0  }
0x22: {  	s30 =	simm.s32 $0x6500;
	[sflag:s16] =	ssyncadd.s32 $0xFFFFD000  }
0x23: {  	s29 =	simm.s32 $0x13500;
	v0 =	vld [tilespmem:s30+$0x80]  }
0x24: {  	v1 =	vld [tilespmem:s29+$0x80]  }
0x25: {  	v2 =	vld [tilespmem:s30+$0xFFFFFF80]  }
0x26: {  	v3 =	vld [tilespmem:s29+$0xFFFFFF80]  }
0x27: {  	v4 =	vld [tilespmem:s30+$0x0]  }
0x28: {  	v5 =	vld [tilespmem:s29+$0x0]  }
0x29: {  	v6 =	vld [tilespmem:s30+$0xFFFFFF00];
	v0 =	vadd.f32 v1, v0  }
0x2a: {  	v1 =	vld [tilespmem:s29+$0xFFFFFF00]  }
0x2b: {  	[tilespmem:s30+$0x80] =	vst v0;
	v0 =	vld [tilespmem:s30+$0x90]  }
0x2c: {  	v2 =	vadd.f32 v3, v2;
	v3 =	vld [tilespmem:s29+$0x90]  }
0x2d: {  	v7 =	vld [tilespmem:s30+$0xFFFFFF10]  }
0x2e: {  	[tilespmem:s30+$0xFFFFFF80] =	vst v2;
	v2 =	vadd.f32 v5, v4;
	v4 =	vld [tilespmem:s30+$0xFFFFFF90]  }
0x2f: {  	v5 =	vld [tilespmem:s29+$0xFFFFFF90];
	v1 =	vadd.f32 v1, v6  }
0x30: {  	[tilespmem:s30+$0x0] =	vst v2;
	v2 =	vld [tilespmem:s30+$0x10]  }
0x31: {  	v6 =	vld [tilespmem:s29+$0x10];
	[tilespmem:s30+$0xFFFFFF00] =	vst v1;
	v0 =	vadd.f32 v3, v0  }
0x32: {  	v1 =	vld [tilespmem:s29+$0xFFFFFF10]  }
0x33: {  	[tilespmem:s30+$0x90] =	vst v0;
	v0 =	vld [tilespmem:s30+$0xA0]  }
0x34: {  	v3 =	vadd.f32 v5, v4;
	v4 =	vld [tilespmem:s29+$0xA0]  }
0x35: {  	v5 =	vld [tilespmem:s30+$0xFFFFFF20]  }
0x36: {  	[tilespmem:s30+$0xFFFFFF90] =	vst v3;
	v2 =	vadd.f32 v6, v2;
	v3 =	vld [tilespmem:s30+$0xFFFFFFA0]  }
0x37: {  	v6 =	vld [tilespmem:s29+$0xFFFFFFA0];
	v1 =	vadd.f32 v1, v7  }
0x38: {  	[tilespmem:s30+$0x10] =	vst v2;
	v2 =	vld [tilespmem:s30+$0x20]  }
0x39: {  	v7 =	vld [tilespmem:s29+$0x20];
	[tilespmem:s30+$0xFFFFFF10] =	vst v1;
	v0 =	vadd.f32 v4, v0  }
0x3a: {  	v1 =	vld [tilespmem:s29+$0xFFFFFF20]  }
0x3b: {  	[tilespmem:s30+$0xA0] =	vst v0;
	v0 =	vld [tilespmem:s30+$0xB0]  }
0x3c: {  	v3 =	vadd.f32 v6, v3;
	v4 =	vld [tilespmem:s29+$0xB0]  }
0x3d: {  	v6 =	vld [tilespmem:s30+$0xFFFFFF30]  }
0x3e: {  	[tilespmem:s30+$0xFFFFFFA0] =	vst v3;
	v2 =	vadd.f32 v7, v2;
	v3 =	vld [tilespmem:s30+$0xFFFFFFB0]  }
0x3f: {  	v7 =	vld [tilespmem:s29+$0xFFFFFFB0];
	v1 =	vadd.f32 v1, v5  }
0x40: {  	[tilespmem:s30+$0x20] =	vst v2;
	v2 =	vld [tilespmem:s30+$0x30]  }
0x41: {  	v5 =	vld [tilespmem:s29+$0x30];
	[tilespmem:s30+$0xFFFFFF20] =	vst v1;
	v0 =	vadd.f32 v4, v0  }
0x42: {  	v1 =	vld [tilespmem:s29+$0xFFFFFF30]  }
0x43: {  	[tilespmem:s30+$0xB0] =	vst v0;
	v0 =	vld [tilespmem:s30+$0xC0]  }
0x44: {  	v3 =	vadd.f32 v7, v3;
	v4 =	vld [tilespmem:s29+$0xC0]  }
0x45: {  	v7 =	vld [tilespmem:s30+$0xFFFFFF40]  }
0x46: {  	[tilespmem:s30+$0xFFFFFFB0] =	vst v3;
	v2 =	vadd.f32 v5, v2;
	v3 =	vld [tilespmem:s30+$0xFFFFFFC0]  }
0x47: {  	v5 =	vld [tilespmem:s29+$0xFFFFFFC0];
	v1 =	vadd.f32 v1, v6  }
0x48: {  	[tilespmem:s30+$0x30] =	vst v2;
	v2 =	vld [tilespmem:s30+$0x40]  }
0x49: {  	v6 =	vld [tilespmem:s29+$0x40];
	[tilespmem:s30+$0xFFFFFF30] =	vst v1;
	v0 =	vadd.f32 v4, v0  }
0x4a: {  	v1 =	vld [tilespmem:s29+$0xFFFFFF40]  }
0x4b: {  	[tilespmem:s30+$0xC0] =	vst v0;
	v0 =	vld [tilespmem:s30+$0xD0]  }
0x4c: {  	v3 =	vadd.f32 v5, v3;
	v4 =	vld [tilespmem:s29+$0xD0]  }
0x4d: {  	v5 =	vld [tilespmem:s30+$0xFFFFFF50]  }
0x4e: {  	[tilespmem:s30+$0xFFFFFFC0] =	vst v3;
	v2 =	vadd.f32 v6, v2;
	v3 =	vld [tilespmem:s30+$0xFFFFFFD0]  }
0x4f: {  	v6 =	vld [tilespmem:s29+$0xFFFFFFD0];
	v1 =	vadd.f32 v1, v7  }
0x50: {  	[tilespmem:s30+$0x40] =	vst v2;
	v2 =	vld [tilespmem:s30+$0x50]  }
0x51: {  	v7 =	vld [tilespmem:s29+$0x50];
	[tilespmem:s30+$0xFFFFFF40] =	vst v1;
	v0 =	vadd.f32 v4, v0  }
0x52: {  	v1 =	vld [tilespmem:s29+$0xFFFFFF50]  }
0x53: {  	[tilespmem:s30+$0xD0] =	vst v0;
	v0 =	vld [tilespmem:s30+$0xE0]  }
0x54: {  	v3 =	vadd.f32 v6, v3;
	v4 =	vld [tilespmem:s29+$0xE0]  }
0x55: {  	v6 =	vld [tilespmem:s30+$0xFFFFFF60]  }
0x56: {  	[tilespmem:s30+$0xFFFFFFD0] =	vst v3;
	v2 =	vadd.f32 v7, v2;
	v3 =	vld [tilespmem:s30+$0xFFFFFFE0]  }
0x57: {  	v7 =	vld [tilespmem:s29+$0xFFFFFFE0];
	v1 =	vadd.f32 v1, v5  }
0x58: {  	[tilespmem:s30+$0x50] =	vst v2;
	v2 =	vld [tilespmem:s30+$0x60]  }
0x59: {  	v5 =	vld [tilespmem:s29+$0x60];
	[tilespmem:s30+$0xFFFFFF50] =	vst v1;
	v0 =	vadd.f32 v4, v0  }
0x5a: {  	v4 =	vld [tilespmem:s29+$0xFFFFFF60]  }
0x5b: {  	v8 =	vld [tilespmem:s30+$0xF0];
	[tilespmem:s30+$0xE0] =	vst v0  }
0x5c: {  	v1 =	vadd.f32 v7, v3;
	v7 =	vld [tilespmem:s29+$0xF0]  }
0x5d: {  	v0 =	vld [tilespmem:s30+$0xFFFFFF70]  }
0x5e: {  	[tilespmem:s30+$0xFFFFFFE0] =	vst v1;
	v2 =	vadd.f32 v5, v2;
	v1 =	vld [tilespmem:s30+$0xFFFFFFF0]  }
0x5f: {  	v3 =	vld [tilespmem:s29+$0xFFFFFFF0];
	v4 =	vadd.f32 v4, v6  }
0x60: {  	[tilespmem:s30+$0x60] =	vst v2;
	v2 =	vld [tilespmem:s30+$0x70]  }
0x61: {  	[tilespmem:s30+$0xFFFFFF60] =	vst v4;
	v4 =	vld [tilespmem:s29+$0x70];
	v6 =	vadd.f32 v7, v8  }
0x62: {  	s2 =	simm.s32 $0x0;
	s0 =	simm.s32 $0x6700;
	v5 =	vld [tilespmem:s29+$0xFFFFFF70]  }
.LBB2_3:
0x63: {  	v7 =	vld [tilespmem:s0+$0x80];
	[tilespmem:s30+$0xF0] =	vst v6;
	s29 =	sadd.s32 $0x200, s29  }
0x64: {  	s2 =	sadd.s32 $0x4, s2;
	v6 =	vld [tilespmem:s29+$0x80];
	v1 =	vadd.f32 v3, v1  }
0x65: {  	p1 =	slt.u32 s2, $0x5C;
	v3 =	vld [tilespmem:s29+$0xFFFFFF00]  }
0x66: {  	v8 =	vld [tilespmem:s0+$0xFFFFFF80];
	[tilespmem:s30+$0xFFFFFFF0] =	vst v1;
	v1 =	vadd.f32 v4, v2  }
0x67: {  	v2 =	vld [tilespmem:s29+$0xFFFFFF80];
	v0 =	vadd.f32 v5, v0  }
0x68: {  	v4 =	vld [tilespmem:s0+$0x0];
	[tilespmem:s30+$0x70] =	vst v1  }
0x69: {  	v1 =	vld [tilespmem:s29+$0x0];
	v5 =	vadd.f32 v6, v7;
	[tilespmem:s30+$0xFFFFFF70] =	vst v0;
	s30 =	smov.u32 s0  }
0x6a: {  	v0 =	vld [tilespmem:s0+$0xFFFFFF00]  }
0x6b: {  	[tilespmem:s0+$0x80] =	vst v5;
	v5 =	vld [tilespmem:s0+$0x90]  }
0x6c: {  	v2 =	vadd.f32 v2, v8;
	v6 =	vld [tilespmem:s29+$0x90]  }
0x6d: {  	v7 =	vld [tilespmem:s0+$0xFFFFFF10]  }
0x6e: {  	[tilespmem:s0+$0xFFFFFF80] =	vst v2;
	v2 =	vld [tilespmem:s0+$0xFFFFFF90];
	v1 =	vadd.f32 v1, v4  }
0x6f: {  	v0 =	vadd.f32 v3, v0;
	v3 =	vld [tilespmem:s29+$0xFFFFFF90]  }
0x70: {  	[tilespmem:s0+$0x0] =	vst v1;
	v1 =	vld [tilespmem:s0+$0x10]  }
0x71: {  	[tilespmem:s0+$0xFFFFFF00] =	vst v0;
	v0 =	vld [tilespmem:s29+$0x10];
	v4 =	vadd.f32 v6, v5  }
0x72: {  	v5 =	vld [tilespmem:s29+$0xFFFFFF10]  }
0x73: {  	[tilespmem:s0+$0x90] =	vst v4;
	v4 =	vld [tilespmem:s0+$0xA0]  }
0x74: {  	v2 =	vadd.f32 v3, v2;
	v3 =	vld [tilespmem:s29+$0xA0]  }
0x75: {  	v6 =	vld [tilespmem:s0+$0xFFFFFF20]  }
0x76: {  	[tilespmem:s0+$0xFFFFFF90] =	vst v2;
	v2 =	vld [tilespmem:s0+$0xFFFFFFA0];
	v0 =	vadd.f32 v0, v1  }
0x77: {  	v1 =	vadd.f32 v5, v7;
	v5 =	vld [tilespmem:s29+$0xFFFFFFA0]  }
0x78: {  	[tilespmem:s0+$0x10] =	vst v0;
	v0 =	vld [tilespmem:s0+$0x20]  }
0x79: {  	[tilespmem:s0+$0xFFFFFF10] =	vst v1;
	v1 =	vld [tilespmem:s29+$0x20];
	v3 =	vadd.f32 v3, v4  }
0x7a: {  	v4 =	vld [tilespmem:s29+$0xFFFFFF20]  }
0x7b: {  	[tilespmem:s0+$0xA0] =	vst v3;
	v3 =	vld [tilespmem:s0+$0xB0]  }
0x7c: {  	v2 =	vadd.f32 v5, v2;
	v5 =	vld [tilespmem:s29+$0xB0]  }
0x7d: {  	v7 =	vld [tilespmem:s0+$0xFFFFFF30]  }
0x7e: {  	[tilespmem:s0+$0xFFFFFFA0] =	vst v2;
	v2 =	vld [tilespmem:s0+$0xFFFFFFB0];
	v0 =	vadd.f32 v1, v0  }
0x7f: {  	v1 =	vadd.f32 v4, v6;
	v4 =	vld [tilespmem:s29+$0xFFFFFFB0]  }
0x80: {  	[tilespmem:s0+$0x20] =	vst v0;
	v0 =	vld [tilespmem:s0+$0x30]  }
0x81: {  	[tilespmem:s0+$0xFFFFFF20] =	vst v1;
	v1 =	vld [tilespmem:s29+$0x30];
	v3 =	vadd.f32 v5, v3  }
0x82: {  	v5 =	vld [tilespmem:s29+$0xFFFFFF30]  }
0x83: {  	[tilespmem:s0+$0xB0] =	vst v3;
	v3 =	vld [tilespmem:s0+$0xC0]  }
0x84: {  	v2 =	vadd.f32 v4, v2;
	v4 =	vld [tilespmem:s29+$0xC0]  }
0x85: {  	v6 =	vld [tilespmem:s0+$0xFFFFFF40]  }
0x86: {  	[tilespmem:s0+$0xFFFFFFB0] =	vst v2;
	v2 =	vld [tilespmem:s0+$0xFFFFFFC0];
	v0 =	vadd.f32 v1, v0  }
0x87: {  	v1 =	vadd.f32 v5, v7;
	v5 =	vld [tilespmem:s29+$0xFFFFFFC0]  }
0x88: {  	[tilespmem:s0+$0x30] =	vst v0;
	v0 =	vld [tilespmem:s0+$0x40]  }
0x89: {  	[tilespmem:s0+$0xFFFFFF30] =	vst v1;
	v1 =	vld [tilespmem:s29+$0x40];
	v3 =	vadd.f32 v4, v3  }
0x8a: {  	v4 =	vld [tilespmem:s29+$0xFFFFFF40]  }
0x8b: {  	[tilespmem:s0+$0xC0] =	vst v3;
	v3 =	vld [tilespmem:s0+$0xD0]  }
0x8c: {  	v2 =	vadd.f32 v5, v2;
	v5 =	vld [tilespmem:s29+$0xD0]  }
0x8d: {  	v7 =	vld [tilespmem:s0+$0xFFFFFF50]  }
0x8e: {  	[tilespmem:s0+$0xFFFFFFC0] =	vst v2;
	v2 =	vld [tilespmem:s0+$0xFFFFFFD0];
	v0 =	vadd.f32 v1, v0  }
0x8f: {  	v1 =	vadd.f32 v4, v6;
	v4 =	vld [tilespmem:s29+$0xFFFFFFD0]  }
0x90: {  	[tilespmem:s0+$0x40] =	vst v0;
	v0 =	vld [tilespmem:s0+$0x50]  }
0x91: {  	[tilespmem:s0+$0xFFFFFF40] =	vst v1;
	v1 =	vld [tilespmem:s29+$0x50];
	v3 =	vadd.f32 v5, v3  }
0x92: {  	v5 =	vld [tilespmem:s29+$0xFFFFFF50]  }
0x93: {  	[tilespmem:s0+$0xD0] =	vst v3;
	v3 =	vld [tilespmem:s0+$0xE0]  }
0x94: {  	v2 =	vadd.f32 v4, v2;
	v4 =	vld [tilespmem:s29+$0xE0]  }
0x95: {  	v6 =	vld [tilespmem:s0+$0xFFFFFF60]  }
0x96: {  	[tilespmem:s0+$0xFFFFFFD0] =	vst v2;
	v2 =	vld [tilespmem:s0+$0xFFFFFFE0];
	v0 =	vadd.f32 v1, v0  }
0x97: {  	v1 =	vadd.f32 v5, v7;
	v5 =	vld [tilespmem:s29+$0xFFFFFFE0]  }
0x98: {  	[tilespmem:s0+$0x50] =	vst v0;
	v7 =	vld [tilespmem:s0+$0x60]  }
0x99: {  	[tilespmem:s0+$0xFFFFFF50] =	vst v1;
	v8 =	vld [tilespmem:s29+$0x60];
	v0 =	vadd.f32 v4, v3  }
0x9a: {  	v3 =	vld [tilespmem:s29+$0xFFFFFF60]  }
0x9b: {  	[tilespmem:s0+$0xE0] =	vst v0;
	v9 =	vld [tilespmem:s0+$0xF0]  }
0x9c: {  	v1 =	vadd.f32 v5, v2;
	v5 =	vld [tilespmem:s29+$0xF0]  }
0x9d: {  	v0 =	vld [tilespmem:s0+$0xFFFFFF70]  }
.Ltmp0:
0x9e: {  	[tilespmem:s0+$0xFFFFFFE0] =	vst v1;
	v1 =	vld [tilespmem:s0+$0xFFFFFFF0];
	v2 =	vadd.f32 v8, v7;
	(pc) =	sbr.rel @p1 .LBB2_3-.Ltmp0, $4  }
0x9f: {  	v4 =	vadd.f32 v3, v6;
	v3 =	vld [tilespmem:s29+$0xFFFFFFF0]  }
0xa0: {  	[tilespmem:s0+$0x60] =	vst v2;
	v2 =	vld [tilespmem:s0+$0x70]  }
0xa1: {  	[tilespmem:s0+$0xFFFFFF60] =	vst v4;
	v4 =	vld [tilespmem:s29+$0x70];
	v6 =	vadd.f32 v5, v9  }
0xa2: {  	s0 =	sadd.s32 $0x200, s0;
	v5 =	vld [tilespmem:s29+$0xFFFFFF70]  }
0xa3: {  	_ =	sdelay $0x1  }
0xa4: {  	s0 =	sshll.u32 s26, $0x1;
	v1 =	vadd.f32 v3, v1  }
0xa5: {  	[tilespmem:s30+$0xF0] =	vst v6;
	s29 =	sadd.s32 s6, s0;
	v2 =	vadd.f32 v4, v2  }
0xa6: {  	s0 =	smul.u32 $0xC80, s29;
	[tilespmem:s30+$0xFFFFFFF0] =	vst v1;
	v0 =	vadd.f32 v5, v0  }
0xa7: {  	[tilespmem:s30+$0x70] =	vst v2  }
0xa8: {  	[tilespmem:s30+$0xFFFFFF70] =	vst v0;
	s30 =	sadd.s32 s4, s0;
	s0 =	simm.s32 @!p0 $0x8  }
0xa9: {  	[hbm4b:s30+s5] =	stream.linear.scatter [tilespmem:s12], [sflag:$0x5], $0x3000, $0x38;
	[tilespmem:$0x19800] =	vst v63  }
0xaa: {  	_ =	swait.ge @!p0 [sflag:s0], $0x3400  }
0xab: {  	[sflag:s0] =	ssyncset.done @!p0 $0x0  }
0xac: {  	s3 =	sadd.s32 $0x128, s28;
	[sflag:s0] =	ssyncadd.s32 @!p0 $0xFFFFCC00  }
0xad: {  	[tilespmem:s17], [sflag:$0x4] =	stream.indirect.gather [hbm4b:s1+s13], $0x80, s3, s13, $0xb8;
	[tilespmem:$0x19800] =	vst v63  }
0xae: {  	_ =	swait.ge [sflag:s18], $0x3400  }
0xaf: {  	[sflag:s18] =	ssyncset.done $0x0  }
0xb0: {  	s31 =	simm.s32 $0x99F0;
	[sflag:s18] =	ssyncadd.s32 $0xFFFFCC00  }
0xb1: {  	s2 =	simm.s32 $0x165F0;
	v0 =	vld [tilespmem:s31+$0xFFFFFF90]  }
0xb2: {  	v1 =	vld [tilespmem:s2+$0xFFFFFF90]  }
0xb3: {  	v2 =	vld [tilespmem:s31+$0xFFFFFE90]  }
0xb4: {  	v3 =	vld [tilespmem:s2+$0xFFFFFE90]  }
0xb5: {  	v4 =	vld [tilespmem:s31+$0xFFFFFF10]  }
0xb6: {  	v5 =	vld [tilespmem:s2+$0xFFFFFF10]  }
0xb7: {  	v6 =	vld [tilespmem:s31+$0xFFFFFE10];
	v0 =	vadd.f32 v1, v0  }
0xb8: {  	v1 =	vld [tilespmem:s2+$0xFFFFFE10]  }
0xb9: {  	[tilespmem:s31+$0xFFFFFF90] =	vst v0;
	v0 =	vld [tilespmem:s31+$0xFFFFFFA0]  }
0xba: {  	v2 =	vadd.f32 v3, v2;
	v3 =	vld [tilespmem:s2+$0xFFFFFFA0]  }
0xbb: {  	v7 =	vld [tilespmem:s31+$0xFFFFFE20]  }
0xbc: {  	[tilespmem:s31+$0xFFFFFE90] =	vst v2;
	v2 =	vadd.f32 v5, v4;
	v4 =	vld [tilespmem:s31+$0xFFFFFEA0]  }
0xbd: {  	v5 =	vld [tilespmem:s2+$0xFFFFFEA0];
	v1 =	vadd.f32 v1, v6  }
0xbe: {  	[tilespmem:s31+$0xFFFFFF10] =	vst v2;
	v2 =	vld [tilespmem:s31+$0xFFFFFF20]  }
0xbf: {  	v6 =	vld [tilespmem:s2+$0xFFFFFF20];
	[tilespmem:s31+$0xFFFFFE10] =	vst v1;
	v0 =	vadd.f32 v3, v0  }
0xc0: {  	v1 =	vld [tilespmem:s2+$0xFFFFFE20]  }
0xc1: {  	[tilespmem:s31+$0xFFFFFFA0] =	vst v0;
	v0 =	vld [tilespmem:s31+$0xFFFFFFB0]  }
0xc2: {  	v3 =	vadd.f32 v5, v4;
	v4 =	vld [tilespmem:s2+$0xFFFFFFB0]  }
0xc3: {  	v5 =	vld [tilespmem:s31+$0xFFFFFE30]  }
0xc4: {  	[tilespmem:s31+$0xFFFFFEA0] =	vst v3;
	v2 =	vadd.f32 v6, v2;
	v3 =	vld [tilespmem:s31+$0xFFFFFEB0]  }
0xc5: {  	v6 =	vld [tilespmem:s2+$0xFFFFFEB0];
	v1 =	vadd.f32 v1, v7  }
0xc6: {  	[tilespmem:s31+$0xFFFFFF20] =	vst v2;
	v2 =	vld [tilespmem:s31+$0xFFFFFF30]  }
0xc7: {  	v7 =	vld [tilespmem:s2+$0xFFFFFF30];
	[tilespmem:s31+$0xFFFFFE20] =	vst v1;
	v0 =	vadd.f32 v4, v0  }
0xc8: {  	v1 =	vld [tilespmem:s2+$0xFFFFFE30]  }
0xc9: {  	[tilespmem:s31+$0xFFFFFFB0] =	vst v0;
	v0 =	vld [tilespmem:s31+$0xFFFFFFC0]  }
0xca: {  	v3 =	vadd.f32 v6, v3;
	v4 =	vld [tilespmem:s2+$0xFFFFFFC0]  }
0xcb: {  	v6 =	vld [tilespmem:s31+$0xFFFFFE40]  }
0xcc: {  	[tilespmem:s31+$0xFFFFFEB0] =	vst v3;
	v2 =	vadd.f32 v7, v2;
	v3 =	vld [tilespmem:s31+$0xFFFFFEC0]  }
0xcd: {  	v7 =	vld [tilespmem:s2+$0xFFFFFEC0];
	v1 =	vadd.f32 v1, v5  }
0xce: {  	[tilespmem:s31+$0xFFFFFF30] =	vst v2;
	v2 =	vld [tilespmem:s31+$0xFFFFFF40]  }
0xcf: {  	v5 =	vld [tilespmem:s2+$0xFFFFFF40];
	[tilespmem:s31+$0xFFFFFE30] =	vst v1;
	v0 =	vadd.f32 v4, v0  }
0xd0: {  	v1 =	vld [tilespmem:s2+$0xFFFFFE40]  }
0xd1: {  	[tilespmem:s31+$0xFFFFFFC0] =	vst v0;
	v0 =	vld [tilespmem:s31+$0xFFFFFFD0]  }
0xd2: {  	v3 =	vadd.f32 v7, v3;
	v4 =	vld [tilespmem:s2+$0xFFFFFFD0]  }
0xd3: {  	v7 =	vld [tilespmem:s31+$0xFFFFFE50]  }
0xd4: {  	[tilespmem:s31+$0xFFFFFEC0] =	vst v3;
	v2 =	vadd.f32 v5, v2;
	v3 =	vld [tilespmem:s31+$0xFFFFFED0]  }
0xd5: {  	v5 =	vld [tilespmem:s2+$0xFFFFFED0];
	v1 =	vadd.f32 v1, v6  }
0xd6: {  	[tilespmem:s31+$0xFFFFFF40] =	vst v2;
	v2 =	vld [tilespmem:s31+$0xFFFFFF50]  }
0xd7: {  	v6 =	vld [tilespmem:s2+$0xFFFFFF50];
	[tilespmem:s31+$0xFFFFFE40] =	vst v1;
	v0 =	vadd.f32 v4, v0  }
0xd8: {  	v1 =	vld [tilespmem:s2+$0xFFFFFE50]  }
0xd9: {  	[tilespmem:s31+$0xFFFFFFD0] =	vst v0;
	v0 =	vld [tilespmem:s31+$0xFFFFFFE0]  }
0xda: {  	v3 =	vadd.f32 v5, v3;
	v4 =	vld [tilespmem:s2+$0xFFFFFFE0]  }
0xdb: {  	v5 =	vld [tilespmem:s31+$0xFFFFFE60]  }
0xdc: {  	[tilespmem:s31+$0xFFFFFED0] =	vst v3;
	v2 =	vadd.f32 v6, v2;
	v3 =	vld [tilespmem:s31+$0xFFFFFEE0]  }
0xdd: {  	v6 =	vld [tilespmem:s2+$0xFFFFFEE0];
	v1 =	vadd.f32 v1, v7  }
0xde: {  	[tilespmem:s31+$0xFFFFFF50] =	vst v2;
	v2 =	vld [tilespmem:s31+$0xFFFFFF60]  }
0xdf: {  	v7 =	vld [tilespmem:s2+$0xFFFFFF60];
	[tilespmem:s31+$0xFFFFFE50] =	vst v1;
	v0 =	vadd.f32 v4, v0  }
0xe0: {  	v1 =	vld [tilespmem:s2+$0xFFFFFE60]  }
0xe1: {  	[tilespmem:s31+$0xFFFFFFE0] =	vst v0;
	v0 =	vld [tilespmem:s31+$0xFFFFFFF0]  }
0xe2: {  	v3 =	vadd.f32 v6, v3;
	v4 =	vld [tilespmem:s2+$0xFFFFFFF0]  }
0xe3: {  	v6 =	vld [tilespmem:s31+$0xFFFFFE70]  }
0xe4: {  	[tilespmem:s31+$0xFFFFFEE0] =	vst v3;
	v2 =	vadd.f32 v7, v2;
	v3 =	vld [tilespmem:s31+$0xFFFFFEF0]  }
0xe5: {  	v7 =	vld [tilespmem:s2+$0xFFFFFEF0];
	v1 =	vadd.f32 v1, v5  }
0xe6: {  	[tilespmem:s31+$0xFFFFFF60] =	vst v2;
	v2 =	vld [tilespmem:s31+$0xFFFFFF70]  }
0xe7: {  	v5 =	vld [tilespmem:s2+$0xFFFFFF70];
	[tilespmem:s31+$0xFFFFFE60] =	vst v1;
	v0 =	vadd.f32 v4, v0  }
0xe8: {  	v4 =	vld [tilespmem:s2+$0xFFFFFE70]  }
0xe9: {  	v8 =	vld [tilespmem:s31+$0x0];
	[tilespmem:s31+$0xFFFFFFF0] =	vst v0  }
0xea: {  	v1 =	vadd.f32 v7, v3;
	v7 =	vld [tilespmem:s2+$0x0]  }
0xeb: {  	v0 =	vld [tilespmem:s31+$0xFFFFFE80]  }
0xec: {  	[tilespmem:s31+$0xFFFFFEF0] =	vst v1;
	v2 =	vadd.f32 v5, v2;
	v1 =	vld [tilespmem:s31+$0xFFFFFF00]  }
0xed: {  	v3 =	vld [tilespmem:s2+$0xFFFFFF00];
	v4 =	vadd.f32 v4, v6  }
0xee: {  	[tilespmem:s31+$0xFFFFFF70] =	vst v2;
	v2 =	vld [tilespmem:s31+$0xFFFFFF80]  }
0xef: {  	[tilespmem:s31+$0xFFFFFE70] =	vst v4;
	v4 =	vld [tilespmem:s2+$0xFFFFFF80];
	v6 =	vadd.f32 v7, v8  }
0xf0: {  	s0 =	simm.s32 $0x0;
	s3 =	simm.s32 $0x9BF0;
	v5 =	vld [tilespmem:s2+$0xFFFFFE80]  }
.LBB2_5:
0xf1: {  	v7 =	vld [tilespmem:s3+$0xFFFFFF90];
	[tilespmem:s31+$0x0] =	vst v6;
	s2 =	sadd.s32 $0x200, s2  }
0xf2: {  	s0 =	sadd.s32 $0x4, s0;
	v6 =	vld [tilespmem:s2+$0xFFFFFF90];
	v1 =	vadd.f32 v3, v1  }
0xf3: {  	p0 =	slt.u32 s0, $0x64;
	v3 =	vld [tilespmem:s2+$0xFFFFFE10]  }
0xf4: {  	v8 =	vld [tilespmem:s3+$0xFFFFFE90];
	[tilespmem:s31+$0xFFFFFF00] =	vst v1;
	v1 =	vadd.f32 v4, v2  }
0xf5: {  	v2 =	vld [tilespmem:s2+$0xFFFFFE90];
	v0 =	vadd.f32 v5, v0  }
0xf6: {  	v4 =	vld [tilespmem:s3+$0xFFFFFF10];
	[tilespmem:s31+$0xFFFFFF80] =	vst v1  }
0xf7: {  	v1 =	vld [tilespmem:s2+$0xFFFFFF10];
	v5 =	vadd.f32 v6, v7;
	[tilespmem:s31+$0xFFFFFE80] =	vst v0;
	s31 =	smov.u32 s3  }
0xf8: {  	v0 =	vld [tilespmem:s3+$0xFFFFFE10]  }
0xf9: {  	[tilespmem:s3+$0xFFFFFF90] =	vst v5;
	v5 =	vld [tilespmem:s3+$0xFFFFFFA0]  }
0xfa: {  	v2 =	vadd.f32 v2, v8;
	v6 =	vld [tilespmem:s2+$0xFFFFFFA0]  }
0xfb: {  	v7 =	vld [tilespmem:s3+$0xFFFFFE20]  }
0xfc: {  	[tilespmem:s3+$0xFFFFFE90] =	vst v2;
	v2 =	vld [tilespmem:s3+$0xFFFFFEA0];
	v1 =	vadd.f32 v1, v4  }
0xfd: {  	v0 =	vadd.f32 v3, v0;
	v3 =	vld [tilespmem:s2+$0xFFFFFEA0]  }
0xfe: {  	[tilespmem:s3+$0xFFFFFF10] =	vst v1;
	v1 =	vld [tilespmem:s3+$0xFFFFFF20]  }
0xff: {  	[tilespmem:s3+$0xFFFFFE10] =	vst v0;
	v0 =	vld [tilespmem:s2+$0xFFFFFF20];
	v4 =	vadd.f32 v6, v5  }
0x100: {  	v5 =	vld [tilespmem:s2+$0xFFFFFE20]  }
0x101: {  	[tilespmem:s3+$0xFFFFFFA0] =	vst v4;
	v4 =	vld [tilespmem:s3+$0xFFFFFFB0]  }
0x102: {  	v2 =	vadd.f32 v3, v2;
	v3 =	vld [tilespmem:s2+$0xFFFFFFB0]  }
0x103: {  	v6 =	vld [tilespmem:s3+$0xFFFFFE30]  }
0x104: {  	[tilespmem:s3+$0xFFFFFEA0] =	vst v2;
	v2 =	vld [tilespmem:s3+$0xFFFFFEB0];
	v0 =	vadd.f32 v0, v1  }
0x105: {  	v1 =	vadd.f32 v5, v7;
	v5 =	vld [tilespmem:s2+$0xFFFFFEB0]  }
0x106: {  	[tilespmem:s3+$0xFFFFFF20] =	vst v0;
	v0 =	vld [tilespmem:s3+$0xFFFFFF30]  }
0x107: {  	[tilespmem:s3+$0xFFFFFE20] =	vst v1;
	v1 =	vld [tilespmem:s2+$0xFFFFFF30];
	v3 =	vadd.f32 v3, v4  }
0x108: {  	v4 =	vld [tilespmem:s2+$0xFFFFFE30]  }
0x109: {  	[tilespmem:s3+$0xFFFFFFB0] =	vst v3;
	v3 =	vld [tilespmem:s3+$0xFFFFFFC0]  }
0x10a: {  	v2 =	vadd.f32 v5, v2;
	v5 =	vld [tilespmem:s2+$0xFFFFFFC0]  }
0x10b: {  	v7 =	vld [tilespmem:s3+$0xFFFFFE40]  }
0x10c: {  	[tilespmem:s3+$0xFFFFFEB0] =	vst v2;
	v2 =	vld [tilespmem:s3+$0xFFFFFEC0];
	v0 =	vadd.f32 v1, v0  }
0x10d: {  	v1 =	vadd.f32 v4, v6;
	v4 =	vld [tilespmem:s2+$0xFFFFFEC0]  }
0x10e: {  	[tilespmem:s3+$0xFFFFFF30] =	vst v0;
	v0 =	vld [tilespmem:s3+$0xFFFFFF40]  }
0x10f: {  	[tilespmem:s3+$0xFFFFFE30] =	vst v1;
	v1 =	vld [tilespmem:s2+$0xFFFFFF40];
	v3 =	vadd.f32 v5, v3  }
0x110: {  	v5 =	vld [tilespmem:s2+$0xFFFFFE40]  }
0x111: {  	[tilespmem:s3+$0xFFFFFFC0] =	vst v3;
	v3 =	vld [tilespmem:s3+$0xFFFFFFD0]  }
0x112: {  	v2 =	vadd.f32 v4, v2;
	v4 =	vld [tilespmem:s2+$0xFFFFFFD0]  }
0x113: {  	v6 =	vld [tilespmem:s3+$0xFFFFFE50]  }
0x114: {  	[tilespmem:s3+$0xFFFFFEC0] =	vst v2;
	v2 =	vld [tilespmem:s3+$0xFFFFFED0];
	v0 =	vadd.f32 v1, v0  }
0x115: {  	v1 =	vadd.f32 v5, v7;
	v5 =	vld [tilespmem:s2+$0xFFFFFED0]  }
0x116: {  	[tilespmem:s3+$0xFFFFFF40] =	vst v0;
	v0 =	vld [tilespmem:s3+$0xFFFFFF50]  }
0x117: {  	[tilespmem:s3+$0xFFFFFE40] =	vst v1;
	v1 =	vld [tilespmem:s2+$0xFFFFFF50];
	v3 =	vadd.f32 v4, v3  }
0x118: {  	v4 =	vld [tilespmem:s2+$0xFFFFFE50]  }
0x119: {  	[tilespmem:s3+$0xFFFFFFD0] =	vst v3;
	v3 =	vld [tilespmem:s3+$0xFFFFFFE0]  }
0x11a: {  	v2 =	vadd.f32 v5, v2;
	v5 =	vld [tilespmem:s2+$0xFFFFFFE0]  }
0x11b: {  	v7 =	vld [tilespmem:s3+$0xFFFFFE60]  }
0x11c: {  	[tilespmem:s3+$0xFFFFFED0] =	vst v2;
	v2 =	vld [tilespmem:s3+$0xFFFFFEE0];
	v0 =	vadd.f32 v1, v0  }
0x11d: {  	v1 =	vadd.f32 v4, v6;
	v4 =	vld [tilespmem:s2+$0xFFFFFEE0]  }
0x11e: {  	[tilespmem:s3+$0xFFFFFF50] =	vst v0;
	v0 =	vld [tilespmem:s3+$0xFFFFFF60]  }
0x11f: {  	[tilespmem:s3+$0xFFFFFE50] =	vst v1;
	v1 =	vld [tilespmem:s2+$0xFFFFFF60];
	v3 =	vadd.f32 v5, v3  }
0x120: {  	v5 =	vld [tilespmem:s2+$0xFFFFFE60]  }
0x121: {  	[tilespmem:s3+$0xFFFFFFE0] =	vst v3;
	v3 =	vld [tilespmem:s3+$0xFFFFFFF0]  }
0x122: {  	v2 =	vadd.f32 v4, v2;
	v4 =	vld [tilespmem:s2+$0xFFFFFFF0]  }
0x123: {  	v6 =	vld [tilespmem:s3+$0xFFFFFE70]  }
0x124: {  	[tilespmem:s3+$0xFFFFFEE0] =	vst v2;
	v2 =	vld [tilespmem:s3+$0xFFFFFEF0];
	v0 =	vadd.f32 v1, v0  }
0x125: {  	v1 =	vadd.f32 v5, v7;
	v5 =	vld [tilespmem:s2+$0xFFFFFEF0]  }
0x126: {  	[tilespmem:s3+$0xFFFFFF60] =	vst v0;
	v7 =	vld [tilespmem:s3+$0xFFFFFF70]  }
0x127: {  	[tilespmem:s3+$0xFFFFFE60] =	vst v1;
	v8 =	vld [tilespmem:s2+$0xFFFFFF70];
	v0 =	vadd.f32 v4, v3  }
0x128: {  	v3 =	vld [tilespmem:s2+$0xFFFFFE70]  }
0x129: {  	[tilespmem:s3+$0xFFFFFFF0] =	vst v0;
	v9 =	vld [tilespmem:s3+$0x0]  }
0x12a: {  	v1 =	vadd.f32 v5, v2;
	v5 =	vld [tilespmem:s2+$0x0]  }
0x12b: {  	v0 =	vld [tilespmem:s3+$0xFFFFFE80]  }
.Ltmp1:
0x12c: {  	[tilespmem:s3+$0xFFFFFEF0] =	vst v1;
	v1 =	vld [tilespmem:s3+$0xFFFFFF00];
	v2 =	vadd.f32 v8, v7;
	(pc) =	sbr.rel @p0 .LBB2_5-.Ltmp1, $4  }
0x12d: {  	v4 =	vadd.f32 v3, v6;
	v3 =	vld [tilespmem:s2+$0xFFFFFF00]  }
0x12e: {  	[tilespmem:s3+$0xFFFFFF70] =	vst v2;
	v2 =	vld [tilespmem:s3+$0xFFFFFF80]  }
0x12f: {  	[tilespmem:s3+$0xFFFFFE70] =	vst v4;
	v4 =	vld [tilespmem:s2+$0xFFFFFF80];
	v6 =	vadd.f32 v5, v9  }
0x130: {  	s3 =	sadd.s32 $0x200, s3;
	v5 =	vld [tilespmem:s2+$0xFFFFFE80]  }
0x131: {  	_ =	sdelay $0x1  }
0x132: {  	v1 =	vadd.f32 v3, v1  }
0x133: {  	[tilespmem:s31+$0x0] =	vst v6;
	v2 =	vadd.f32 v4, v2  }
0x134: {  	[tilespmem:s31+$0xFFFFFF00] =	vst v1;
	v0 =	vadd.f32 v5, v0  }
0x135: {  	[tilespmem:s31+$0xFFFFFF80] =	vst v2  }
0x136: {  	s0 =	sadd.s32 $0x600, s30;
	p0 =	seq.s32 s26, $0x3F;
	[tilespmem:s31+$0xFFFFFE80] =	vst v0  }
0x137: {  	[hbm4b:s0+s5] =	stream.linear.scatter [tilespmem:s14], [sflag:$0x6], $0x3400, $0x38;
	[tilespmem:$0x19800] =	vst v63  }
0x138: {  	s0 =	simm.s32 @!p0 $0x5  }
0x139: {  	_ =	swait.ge @!p0 [sflag:s0], $0x3000  }
0x13a: {  	s2 =	simm.s32 @!p0 $0x60;
	[sflag:s0] =	ssyncset.done @!p0 $0x0  }
0x13b: {  	s3 =	simm.s32 @!p0 $0x6400;
	[sflag:s0] =	ssyncadd.s32 @!p0 $0xFFFFD000;
	s0 =	sadd.s32 @!p0 $0x190, s28  }
0x13c: {  	[tilespmem:s3], [sflag:$0x1] =	stream.indirect.gather @!p0 [hbm4b:s1+s2], $0x80, s0, s2, $0xb8;
	[tilespmem:$0x19800] =	vst v63  }
0x13d: {  	_ =	swait.ge [sflag:s19], $0x3000  }
0x13e: {  	[sflag:s19] =	ssyncset.done $0x0  }
0x13f: {  	s30 =	simm.s32 $0x0;
	[sflag:s19] =	ssyncadd.s32 $0xFFFFD000  }
0x140: {  	v0 =	vld [tilespmem:s30+$0xCC00]  }
0x141: {  	v1 =	vld [tilespmem:s30+$0x13400]  }
0x142: {  	v2 =	vld [tilespmem:s30+$0xCC10]  }
0x143: {  	v3 =	vld [tilespmem:s30+$0x13410]  }
0x144: {  	v4 =	vld [tilespmem:s30+$0xCC20]  }
0x145: {  	v5 =	vld [tilespmem:s30+$0x13420]  }
0x146: {  	v6 =	vld [tilespmem:s30+$0x13430]  }
0x147: {  	v7 =	vld [tilespmem:s30+$0xCDF0]  }
0x148: {  	v8 =	vld [tilespmem:s30+$0x135F0]  }
0x149: {  	v9 =	vld [tilespmem:s30+$0x13460]  }
0x14a: {  	v10 =	vld [tilespmem:s30+$0xCC80]  }
0x14b: {  	v11 =	vld [tilespmem:s30+$0x13480]  }
0x14c: {  	v12 =	vld [tilespmem:s30+$0xCC90]  }
0x14d: {  	v13 =	vld [tilespmem:s30+$0x13490]  }
0x14e: {  	v14 =	vld [tilespmem:s30+$0xCCA0]  }
0x14f: {  	v45 =	vld [tilespmem:s30+$0xCCB0]  }
0x150: {  	v15 =	vld [tilespmem:s30+$0xCC70]  }
0x151: {  	v47 =	vld [tilespmem:s30+$0xCCC0]  }
0x152: {  	v48 =	vld [tilespmem:s30+$0x134C0]  }
0x153: {  	v16 =	vld [tilespmem:s30+$0x13470]  }
0x154: {  	v49 =	vld [tilespmem:s30+$0xCCD0]  }
0x155: {  	v17 =	vld [tilespmem:s30+$0x134D0]  }
0x156: {  	v18 =	vld [tilespmem:s30+$0xCD00]  }
0x157: {  	v19 =	vld [tilespmem:s30+$0x13500]  }
0x158: {  	v20 =	vld [tilespmem:s30+$0xCD10]  }
0x159: {  	v21 =	vld [tilespmem:s30+$0x13510]  }
0x15a: {  	v22 =	vld [tilespmem:s30+$0xCD20]  }
0x15b: {  	v50 =	vld [tilespmem:s30+$0x13520]  }
0x15c: {  	v51 =	vld [tilespmem:s30+$0xCD30]  }
0x15d: {  	v23 =	vld [tilespmem:s30+$0xCCE0]  }
0x15e: {  	v53 =	vld [tilespmem:s30+$0xCD40]  }
0x15f: {  	v54 =	vld [tilespmem:s30+$0x13540]  }
0x160: {  	v0 =	vadd.f32 v1, v0;
	v1 =	vld [tilespmem:s30+$0xCC30]  }
0x161: {  	v60 =	vld [tilespmem:s30+$0x13590]  }
0x162: {  	v61 =	vld [tilespmem:s30+$0xCDA0];
	v10 =	vadd.f32 v11, v10  }
0x163: {  	v46 =	vadd.f32 v13, v12;
	[tilespmem:s30+$0xCC00] =	vst v0;
	v0 =	vadd.f32 v3, v2;
	v2 =	vld [tilespmem:s30+$0xCC40]  }
0x164: {  	v7 =	vadd.f32 v8, v7;
	v3 =	vld [tilespmem:s30+$0x13440];
	[tilespmem:s30+$0xCC80] =	vst v10  }
0x165: {  	[tilespmem:s30+$0xCC90] =	vst v46;
	v1 =	vadd.f32 v6, v1;
	v6 =	vld [tilespmem:s30+$0x134A0]  }
0x166: {  	v18 =	vadd.f32 v19, v18;
	[tilespmem:s30+$0xCDF0] =	vst v7;
	v7 =	vld [tilespmem:s30+$0xCD90]  }
0x167: {  	v52 =	vadd.f32 v21, v20;
	[tilespmem:s30+$0xCC10] =	vst v0;
	v0 =	vadd.f32 v5, v4;
	v4 =	vld [tilespmem:s30+$0xCC50]  }
0x168: {  	[tilespmem:s30+$0xCD00] =	vst v18;
	v5 =	vld [tilespmem:s30+$0x13450]  }
0x169: {  	v62 =	vld [tilespmem:s30+$0x135A0];
	[tilespmem:s30+$0xCD10] =	vst v52  }
0x16a: {  	[tilespmem:s30+$0xCC20] =	vst v0;
	v0 =	vld [tilespmem:s30+$0xCC60];
	v6 =	vadd.f32 v6, v14  }
0x16b: {  	[tilespmem:s30+$0xCC30] =	vst v1;
	v1 =	vld [tilespmem:s30+$0x134B0];
	v2 =	vadd.f32 v3, v2  }
0x16c: {  	v7 =	vadd.f32 v60, v7;
	[tilespmem:s30+$0xCCA0] =	vst v6;
	v6 =	vld [tilespmem:s30+$0x13530]  }
0x16d: {  	v55 =	vld [tilespmem:s30+$0x134E0];
	v4 =	vadd.f32 v5, v4;
	[tilespmem:s30+$0xCC40] =	vst v2  }
0x16e: {  	v56 =	vld [tilespmem:s30+$0xCD50];
	[tilespmem:s30+$0xCD90] =	vst v7;
	v7 =	vadd.f32 v62, v61  }
0x16f: {  	v5 =	vld [tilespmem:s30+$0xCD80];
	v0 =	vadd.f32 v9, v0;
	[tilespmem:s30+$0xCC50] =	vst v4  }
0x170: {  	v2 =	vld [tilespmem:s30+$0x13580];
	[tilespmem:s30+$0xCDA0] =	vst v7;
	v1 =	vadd.f32 v1, v45  }
0x171: {  	v57 =	vld [tilespmem:s30+$0xCCF0];
	[tilespmem:s30+$0xCC60] =	vst v0;
	v6 =	vadd.f32 v6, v51  }
0x172: {  	v4 =	vadd.f32 v16, v15;
	[tilespmem:s30+$0xCCB0] =	vst v1;
	v1 =	vld [tilespmem:s30+$0x13550]  }
0x173: {  	v0 =	vadd.f32 v48, v47;
	[tilespmem:s30+$0xCD30] =	vst v6;
	v6 =	vld [tilespmem:s30+$0x134F0]  }
0x174: {  	v58 =	vld [tilespmem:s30+$0xCD60];
	[tilespmem:s30+$0xCC70] =	vst v4;
	v4 =	vadd.f32 v17, v49  }
0x175: {  	v59 =	vld [tilespmem:s30+$0x13560];
	v2 =	vadd.f32 v2, v5;
	[tilespmem:s30+$0xCCC0] =	vst v0  }
0x176: {  	v63 =	vld [tilespmem:s30+$0x13570];
	v0 =	vadd.f32 v55, v23;
	[tilespmem:s30+$0xCCD0] =	vst v4  }
0x177: {  	v3 =	vld [tilespmem:s30+$0xCD70];
	[tilespmem:s30+$0xCD80] =	vst v2;
	v1 =	vadd.f32 v1, v56  }
0x178: {  	v5 =	vld [tilespmem:s30+$0x135B0];
	[tilespmem:s30+$0xCCE0] =	vst v0;
	v0 =	vadd.f32 v6, v57;
	v6 =	vadd.f32 v54, v53  }
0x179: {  	v4 =	vld [tilespmem:s30+$0xCDB0];
	[tilespmem:s30+$0xCD50] =	vst v1  }
0x17a: {  	v2 =	vld [tilespmem:s30+$0x135C0];
	[tilespmem:s30+$0xCD40] =	vst v6;
	v6 =	vadd.f32 v59, v58  }
0x17b: {  	v14 =	vadd.f32 v50, v22;
	[tilespmem:s30+$0xCCF0] =	vst v0;
	v0 =	vld [tilespmem:s30+$0xCDC0]  }
0x17c: {  	v1 =	vld [tilespmem:s30+$0xCDD0];
	[tilespmem:s30+$0xCD60] =	vst v6;
	v6 =	vadd.f32 v63, v3  }
0x17d: {  	[tilespmem:s30+$0xCD20] =	vst v14;
	v3 =	vld [tilespmem:s30+$0x135D0]  }
0x17e: {  	s2 =	simm.s32 $0x0;
	s0 =	simm.s32 $0x800;
	v5 =	vadd.f32 v5, v4;
	v4 =	vld [tilespmem:s30+$0xCDE0];
	[tilespmem:s30+$0xCD70] =	vst v6  }
.LBB2_7:
0x17f: {  	s3 =	sshra.s32 s0, $0x2;
	v6 =	vld [tilespmem:s30+$0x135E0]  }
0x180: {  	s2 =	sadd.s32 $0x4, s2;
	v7 =	vld [tilespmem:s3+$0xCDF0];
	[tilespmem:s30+$0xCDB0] =	vst v5;
	v0 =	vadd.f32 v2, v0  }
0x181: {  	p1 =	slt.u32 s2, $0x5C;
	v2 =	vld [tilespmem:s3+$0x135F0]  }
0x182: {  	v5 =	vld [tilespmem:s3+$0xCC00];
	[tilespmem:s30+$0xCDC0] =	vst v0;
	v0 =	vadd.f32 v3, v1  }
0x183: {  	v1 =	vld [tilespmem:s3+$0x13400]  }
0x184: {  	v3 =	vld [tilespmem:s3+$0xCC10];
	[tilespmem:s30+$0xCDD0] =	vst v0;
	v0 =	vadd.f32 v6, v4  }
0x185: {  	v4 =	vld [tilespmem:s3+$0x13410]  }
0x186: {  	v6 =	vld [tilespmem:s3+$0xCC20];
	v2 =	vadd.f32 v2, v7;
	[tilespmem:s30+$0xCDE0] =	vst v0;
	s30 =	smov.u32 s3  }
0x187: {  	v0 =	vld [tilespmem:s30+$0x13420]  }
0x188: {  	v1 =	vadd.f32 v1, v5;
	v5 =	vld [tilespmem:s30+$0xCC30];
	[tilespmem:s30+$0xCDF0] =	vst v2  }
0x189: {  	v2 =	vld [tilespmem:s30+$0x13430]  }
0x18a: {  	[tilespmem:s30+$0xCC00] =	vst v1;
	v1 =	vadd.f32 v4, v3;
	v3 =	vld [tilespmem:s30+$0xCC40]  }
0x18b: {  	v4 =	vld [tilespmem:s30+$0x13440]  }
0x18c: {  	[tilespmem:s30+$0xCC10] =	vst v1;
	v0 =	vadd.f32 v0, v6;
	v1 =	vld [tilespmem:s30+$0xCC50]  }
0x18d: {  	v6 =	vld [tilespmem:s30+$0x13450]  }
0x18e: {  	[tilespmem:s30+$0xCC20] =	vst v0;
	v0 =	vadd.f32 v2, v5;
	v2 =	vld [tilespmem:s30+$0xCC60]  }
0x18f: {  	v5 =	vld [tilespmem:s30+$0x13460]  }
0x190: {  	[tilespmem:s30+$0xCC30] =	vst v0;
	v0 =	vadd.f32 v4, v3;
	v3 =	vld [tilespmem:s30+$0xCC70]  }
0x191: {  	v4 =	vld [tilespmem:s30+$0x13470]  }
0x192: {  	[tilespmem:s30+$0xCC40] =	vst v0;
	v0 =	vadd.f32 v6, v1;
	v1 =	vld [tilespmem:s30+$0xCC80]  }
0x193: {  	v6 =	vld [tilespmem:s30+$0x13480]  }
0x194: {  	[tilespmem:s30+$0xCC50] =	vst v0;
	v0 =	vadd.f32 v5, v2;
	v2 =	vld [tilespmem:s30+$0xCC90]  }
0x195: {  	v5 =	vld [tilespmem:s30+$0x13490]  }
0x196: {  	[tilespmem:s30+$0xCC60] =	vst v0;
	v0 =	vadd.f32 v4, v3;
	v3 =	vld [tilespmem:s30+$0xCCA0]  }
0x197: {  	v4 =	vld [tilespmem:s30+$0x134A0]  }
0x198: {  	[tilespmem:s30+$0xCC70] =	vst v0;
	v0 =	vadd.f32 v6, v1;
	v1 =	vld [tilespmem:s30+$0xCCB0]  }
0x199: {  	v6 =	vld [tilespmem:s30+$0x134B0]  }
0x19a: {  	[tilespmem:s30+$0xCC80] =	vst v0;
	v0 =	vadd.f32 v5, v2;
	v2 =	vld [tilespmem:s30+$0xCCC0]  }
0x19b: {  	v5 =	vld [tilespmem:s30+$0x134C0]  }
0x19c: {  	[tilespmem:s30+$0xCC90] =	vst v0;
	v0 =	vadd.f32 v4, v3;
	v3 =	vld [tilespmem:s30+$0xCCD0]  }
0x19d: {  	v4 =	vld [tilespmem:s30+$0x134D0]  }
0x19e: {  	[tilespmem:s30+$0xCCA0] =	vst v0;
	v0 =	vadd.f32 v6, v1;
	v1 =	vld [tilespmem:s30+$0xCCE0]  }
0x19f: {  	v6 =	vld [tilespmem:s30+$0x134E0]  }
0x1a0: {  	[tilespmem:s30+$0xCCB0] =	vst v0;
	v0 =	vadd.f32 v5, v2;
	v2 =	vld [tilespmem:s30+$0xCCF0]  }
0x1a1: {  	v5 =	vld [tilespmem:s30+$0x134F0]  }
0x1a2: {  	[tilespmem:s30+$0xCCC0] =	vst v0;
	v0 =	vadd.f32 v4, v3;
	v3 =	vld [tilespmem:s30+$0xCD00]  }
0x1a3: {  	v4 =	vld [tilespmem:s30+$0x13500]  }
0x1a4: {  	[tilespmem:s30+$0xCCD0] =	vst v0;
	v0 =	vadd.f32 v6, v1;
	v1 =	vld [tilespmem:s30+$0xCD10]  }
0x1a5: {  	v6 =	vld [tilespmem:s30+$0x13510]  }
0x1a6: {  	[tilespmem:s30+$0xCCE0] =	vst v0;
	v0 =	vadd.f32 v5, v2;
	v2 =	vld [tilespmem:s30+$0xCD20]  }
0x1a7: {  	v5 =	vld [tilespmem:s30+$0x13520]  }
0x1a8: {  	[tilespmem:s30+$0xCCF0] =	vst v0;
	v0 =	vadd.f32 v4, v3;
	v3 =	vld [tilespmem:s30+$0xCD30]  }
0x1a9: {  	v4 =	vld [tilespmem:s30+$0x13530]  }
0x1aa: {  	[tilespmem:s30+$0xCD00] =	vst v0;
	v0 =	vadd.f32 v6, v1;
	v1 =	vld [tilespmem:s30+$0xCD40]  }
0x1ab: {  	v6 =	vld [tilespmem:s30+$0x13540]  }
0x1ac: {  	[tilespmem:s30+$0xCD10] =	vst v0;
	v0 =	vadd.f32 v5, v2;
	v2 =	vld [tilespmem:s30+$0xCD50]  }
0x1ad: {  	v5 =	vld [tilespmem:s30+$0x13550]  }
0x1ae: {  	[tilespmem:s30+$0xCD20] =	vst v0;
	v0 =	vadd.f32 v4, v3;
	v3 =	vld [tilespmem:s30+$0xCD60]  }
0x1af: {  	v4 =	vld [tilespmem:s30+$0x13560]  }
0x1b0: {  	[tilespmem:s30+$0xCD30] =	vst v0;
	v0 =	vadd.f32 v6, v1;
	v1 =	vld [tilespmem:s30+$0xCD70]  }
0x1b1: {  	v6 =	vld [tilespmem:s30+$0x13570]  }
0x1b2: {  	[tilespmem:s30+$0xCD40] =	vst v0;
	v0 =	vadd.f32 v5, v2;
	v2 =	vld [tilespmem:s30+$0xCD80]  }
0x1b3: {  	v5 =	vld [tilespmem:s30+$0x13580]  }
0x1b4: {  	[tilespmem:s30+$0xCD50] =	vst v0;
	v0 =	vadd.f32 v4, v3;
	v3 =	vld [tilespmem:s30+$0xCD90]  }
0x1b5: {  	v4 =	vld [tilespmem:s30+$0x13590]  }
0x1b6: {  	[tilespmem:s30+$0xCD60] =	vst v0;
	v0 =	vadd.f32 v6, v1;
	v1 =	vld [tilespmem:s30+$0xCDA0]  }
0x1b7: {  	v6 =	vld [tilespmem:s30+$0x135A0]  }
0x1b8: {  	[tilespmem:s30+$0xCD70] =	vst v0;
	v0 =	vadd.f32 v5, v2;
	v5 =	vld [tilespmem:s30+$0xCDB0]  }
0x1b9: {  	v7 =	vld [tilespmem:s30+$0x135B0]  }
.Ltmp2:
0x1ba: {  	[tilespmem:s30+$0xCD80] =	vst v0;
	v3 =	vadd.f32 v4, v3;
	v0 =	vld [tilespmem:s30+$0xCDC0];
	(pc) =	sbr.rel @p1 .LBB2_7-.Ltmp2, $4  }
0x1bb: {  	v2 =	vld [tilespmem:s30+$0x135C0]  }
0x1bc: {  	[tilespmem:s30+$0xCD90] =	vst v3;
	v4 =	vadd.f32 v6, v1;
	v1 =	vld [tilespmem:s30+$0xCDD0]  }
0x1bd: {  	v3 =	vld [tilespmem:s30+$0x135D0]  }
0x1be: {  	s0 =	sadd.s32 $0x800, s0;
	[tilespmem:s30+$0xCDA0] =	vst v4;
	v5 =	vadd.f32 v7, v5;
	v4 =	vld [tilespmem:s30+$0xCDE0]  }
0x1bf: {  	v6 =	vld [tilespmem:s30+$0x135E0];
	_ =	sdelay $0x2  }
0x1c0: {  	s0 =	smul.u32 $0x6400, s29;
	v0 =	vadd.f32 v2, v0  }
0x1c1: {  	[tilespmem:s30+$0xCDB0] =	vst v5;
	v1 =	vadd.f32 v3, v1  }
0x1c2: {  	s0 =	sshrl.u32 s0, $0x3;
	[tilespmem:s30+$0xCDC0] =	vst v0;
	v0 =	vadd.f32 v6, v4  }
0x1c3: {  	s0 =	sadd.s32 s4, s0;
	[tilespmem:s30+$0xCDD0] =	vst v1  }
0x1c4: {  	s29 =	sadd.s32 $0xC80, s0;
	s0 =	simm.s32 @!p0 $0x6;
	[tilespmem:s30+$0xCDE0] =	vst v0  }
0x1c5: {  	[hbm4b:s29+s5] =	stream.linear.scatter [tilespmem:s15], [sflag:$0x7], $0x3000, $0x38;
	[tilespmem:$0x19800] =	vst v63  }
0x1c6: {  	_ =	swait.ge @!p0 [sflag:s0], $0x3400  }
0x1c7: {  	s2 =	simm.s32 @!p0 $0x68;
	[sflag:s0] =	ssyncset.done @!p0 $0x0  }
0x1c8: {  	s3 =	simm.s32 @!p0 $0x9800;
	[sflag:s0] =	ssyncadd.s32 @!p0 $0xFFFFCC00;
	s0 =	sadd.s32 @!p0 $0x1F0, s28  }
0x1c9: {  	[tilespmem:s3], [sflag:$0x2] =	stream.indirect.gather @!p0 [hbm4b:s1+s2], $0x80, s0, s2, $0xb8;
	[tilespmem:$0x19800] =	vst v63  }
0x1ca: {  	_ =	swait.ge [sflag:s20], $0x3400  }
0x1cb: {  	[sflag:s20] =	ssyncset.done $0x0  }
0x1cc: {  	s28 =	simm.s32 $0x0;
	[sflag:s20] =	ssyncadd.s32 $0xFFFFCC00  }
0x1cd: {  	v0 =	vld [tilespmem:s28+$0x10000]  }
0x1ce: {  	v1 =	vld [tilespmem:s28+$0x16400]  }
0x1cf: {  	v2 =	vld [tilespmem:s28+$0x10010]  }
0x1d0: {  	v3 =	vld [tilespmem:s28+$0x16410]  }
0x1d1: {  	v4 =	vld [tilespmem:s28+$0x10020]  }
0x1d2: {  	v5 =	vld [tilespmem:s28+$0x16420]  }
0x1d3: {  	v6 =	vld [tilespmem:s28+$0x16430]  }
0x1d4: {  	v7 =	vld [tilespmem:s28+$0x101F0]  }
0x1d5: {  	v8 =	vld [tilespmem:s28+$0x165F0]  }
0x1d6: {  	v9 =	vld [tilespmem:s28+$0x16460]  }
0x1d7: {  	v10 =	vld [tilespmem:s28+$0x10080]  }
0x1d8: {  	v11 =	vld [tilespmem:s28+$0x16480]  }
0x1d9: {  	v12 =	vld [tilespmem:s28+$0x10090]  }
0x1da: {  	v13 =	vld [tilespmem:s28+$0x16490]  }
0x1db: {  	v14 =	vld [tilespmem:s28+$0x100A0]  }
0x1dc: {  	v45 =	vld [tilespmem:s28+$0x100B0]  }
0x1dd: {  	v15 =	vld [tilespmem:s28+$0x10070]  }
0x1de: {  	v47 =	vld [tilespmem:s28+$0x100C0]  }
0x1df: {  	v48 =	vld [tilespmem:s28+$0x164C0]  }
0x1e0: {  	v16 =	vld [tilespmem:s28+$0x16470]  }
0x1e1: {  	v49 =	vld [tilespmem:s28+$0x100D0]  }
0x1e2: {  	v17 =	vld [tilespmem:s28+$0x164D0]  }
0x1e3: {  	v18 =	vld [tilespmem:s28+$0x10100]  }
0x1e4: {  	v19 =	vld [tilespmem:s28+$0x16500]  }
0x1e5: {  	v20 =	vld [tilespmem:s28+$0x10110]  }
0x1e6: {  	v21 =	vld [tilespmem:s28+$0x16510]  }
0x1e7: {  	v22 =	vld [tilespmem:s28+$0x10120]  }
0x1e8: {  	v50 =	vld [tilespmem:s28+$0x16520]  }
0x1e9: {  	v51 =	vld [tilespmem:s28+$0x10130]  }
0x1ea: {  	v23 =	vld [tilespmem:s28+$0x100E0]  }
0x1eb: {  	v53 =	vld [tilespmem:s28+$0x10140]  }
0x1ec: {  	v0 =	vadd.f32 v1, v0;
	v1 =	vld [tilespmem:s28+$0x10030]  }
0x1ed: {  	v54 =	vld [tilespmem:s28+$0x16540]  }
0x1ee: {  	v55 =	vld [tilespmem:s28+$0x164E0]  }
0x1ef: {  	v56 =	vld [tilespmem:s28+$0x10150];
	v10 =	vadd.f32 v11, v10  }
0x1f0: {  	v46 =	vadd.f32 v13, v12;
	[tilespmem:s28+$0x10000] =	vst v0;
	v0 =	vadd.f32 v3, v2;
	v2 =	vld [tilespmem:s28+$0x10040]  }
0x1f1: {  	[tilespmem:s28+$0x10080] =	vst v10;
	v1 =	vadd.f32 v6, v1;
	v6 =	vld [tilespmem:s28+$0x164A0]  }
0x1f2: {  	v18 =	vadd.f32 v19, v18;
	v3 =	vld [tilespmem:s28+$0x16440];
	[tilespmem:s28+$0x10090] =	vst v46  }
0x1f3: {  	v52 =	vadd.f32 v21, v20;
	[tilespmem:s28+$0x10010] =	vst v0;
	v0 =	vadd.f32 v5, v4;
	v4 =	vld [tilespmem:s28+$0x10050]  }
0x1f4: {  	[tilespmem:s28+$0x10100] =	vst v18;
	v5 =	vld [tilespmem:s28+$0x16450]  }
0x1f5: {  	v57 =	vld [tilespmem:s28+$0x100F0];
	v7 =	vadd.f32 v8, v7;
	[tilespmem:s28+$0x10110] =	vst v52  }
0x1f6: {  	[tilespmem:s28+$0x10020] =	vst v0;
	v0 =	vld [tilespmem:s28+$0x10060];
	v6 =	vadd.f32 v6, v14  }
0x1f7: {  	v58 =	vld [tilespmem:s28+$0x10160];
	[tilespmem:s28+$0x101F0] =	vst v7  }
0x1f8: {  	v2 =	vadd.f32 v3, v2;
	[tilespmem:s28+$0x100A0] =	vst v6;
	v6 =	vld [tilespmem:s28+$0x16530]  }
0x1f9: {  	[tilespmem:s28+$0x10030] =	vst v1;
	v1 =	vld [tilespmem:s28+$0x164B0];
	v4 =	vadd.f32 v5, v4  }
0x1fa: {  	v59 =	vld [tilespmem:s28+$0x16560];
	[tilespmem:s28+$0x10040] =	vst v2;
	v14 =	vadd.f32 v50, v22  }
0x1fb: {  	v5 =	vld [tilespmem:s28+$0x10180];
	v0 =	vadd.f32 v9, v0;
	[tilespmem:s28+$0x10050] =	vst v4  }
0x1fc: {  	v2 =	vld [tilespmem:s28+$0x16580];
	v4 =	vadd.f32 v16, v15;
	[tilespmem:s28+$0x10120] =	vst v14  }
0x1fd: {  	v60 =	vld [tilespmem:s28+$0x16590];
	[tilespmem:s28+$0x10060] =	vst v0;
	v6 =	vadd.f32 v6, v51  }
0x1fe: {  	v7 =	vld [tilespmem:s28+$0x10190];
	v1 =	vadd.f32 v1, v45;
	[tilespmem:s28+$0x10070] =	vst v4  }
0x1ff: {  	v0 =	vadd.f32 v48, v47;
	[tilespmem:s28+$0x10130] =	vst v6;
	v6 =	vld [tilespmem:s28+$0x164F0]  }
0x200: {  	v61 =	vld [tilespmem:s28+$0x101A0];
	v4 =	vadd.f32 v17, v49;
	[tilespmem:s28+$0x100B0] =	vst v1  }
0x201: {  	v63 =	vld [tilespmem:s28+$0x16570];
	v2 =	vadd.f32 v2, v5;
	[tilespmem:s28+$0x100C0] =	vst v0  }
0x202: {  	v1 =	vld [tilespmem:s28+$0x16550];
	v0 =	vadd.f32 v55, v23;
	[tilespmem:s28+$0x100D0] =	vst v4  }
0x203: {  	v3 =	vld [tilespmem:s28+$0x10170];
	[tilespmem:s28+$0x10180] =	vst v2;
	v2 =	vadd.f32 v60, v7  }
0x204: {  	v62 =	vld [tilespmem:s28+$0x165A0];
	[tilespmem:s28+$0x100E0] =	vst v0;
	v0 =	vadd.f32 v6, v57  }
0x205: {  	v5 =	vld [tilespmem:s28+$0x165B0];
	[tilespmem:s28+$0x10190] =	vst v2;
	v6 =	vadd.f32 v54, v53  }
0x206: {  	v4 =	vld [tilespmem:s28+$0x101B0];
	v7 =	vadd.f32 v59, v58;
	[tilespmem:s28+$0x100F0] =	vst v0  }
0x207: {  	v0 =	vld [tilespmem:s28+$0x101C0];
	[tilespmem:s28+$0x10140] =	vst v6;
	v6 =	vadd.f32 v1, v56  }
0x208: {  	[tilespmem:s28+$0x10160] =	vst v7;
	v7 =	vadd.f32 v63, v3;
	v1 =	vld [tilespmem:s28+$0x165C0]  }
0x209: {  	v2 =	vld [tilespmem:s28+$0x101D0];
	[tilespmem:s28+$0x10150] =	vst v6;
	v6 =	vadd.f32 v62, v61  }
0x20a: {  	v3 =	vld [tilespmem:s28+$0x165D0];
	[tilespmem:s28+$0x10170] =	vst v7  }
0x20b: {  	s2 =	simm.s32 $0x0;
	s0 =	simm.s32 $0x800;
	v5 =	vadd.f32 v5, v4;
	v4 =	vld [tilespmem:s28+$0x101E0];
	[tilespmem:s28+$0x101A0] =	vst v6  }
.LBB2_9:
0x20c: {  	s3 =	sshra.s32 s0, $0x2;
	v6 =	vld [tilespmem:s28+$0x165E0]  }
0x20d: {  	s2 =	sadd.s32 $0x4, s2;
	v7 =	vld [tilespmem:s3+$0x101F0];
	[tilespmem:s28+$0x101B0] =	vst v5;
	v0 =	vadd.f32 v1, v0  }
0x20e: {  	p0 =	slt.u32 s2, $0x64;
	v1 =	vld [tilespmem:s3+$0x165F0]  }
0x20f: {  	v5 =	vld [tilespmem:s3+$0x10000];
	[tilespmem:s28+$0x101C0] =	vst v0;
	v0 =	vadd.f32 v3, v2  }
0x210: {  	v2 =	vld [tilespmem:s3+$0x16400]  }
0x211: {  	v3 =	vld [tilespmem:s3+$0x10010];
	[tilespmem:s28+$0x101D0] =	vst v0;
	v0 =	vadd.f32 v6, v4  }
0x212: {  	v4 =	vld [tilespmem:s3+$0x16410]  }
0x213: {  	v6 =	vld [tilespmem:s3+$0x10020];
	v1 =	vadd.f32 v1, v7;
	[tilespmem:s28+$0x101E0] =	vst v0;
	s28 =	smov.u32 s3  }
0x214: {  	v0 =	vld [tilespmem:s28+$0x16420]  }
0x215: {  	v2 =	vadd.f32 v2, v5;
	v5 =	vld [tilespmem:s28+$0x10030];
	[tilespmem:s28+$0x101F0] =	vst v1  }
0x216: {  	v1 =	vld [tilespmem:s28+$0x16430]  }
0x217: {  	[tilespmem:s28+$0x10000] =	vst v2;
	v2 =	vadd.f32 v4, v3;
	v3 =	vld [tilespmem:s28+$0x10040]  }
0x218: {  	v4 =	vld [tilespmem:s28+$0x16440]  }
0x219: {  	[tilespmem:s28+$0x10010] =	vst v2;
	v0 =	vadd.f32 v0, v6;
	v2 =	vld [tilespmem:s28+$0x10050]  }
0x21a: {  	v6 =	vld [tilespmem:s28+$0x16450]  }
0x21b: {  	[tilespmem:s28+$0x10020] =	vst v0;
	v0 =	vadd.f32 v1, v5;
	v1 =	vld [tilespmem:s28+$0x10060]  }
0x21c: {  	v5 =	vld [tilespmem:s28+$0x16460]  }
0x21d: {  	[tilespmem:s28+$0x10030] =	vst v0;
	v0 =	vadd.f32 v4, v3;
	v3 =	vld [tilespmem:s28+$0x10070]  }
0x21e: {  	v4 =	vld [tilespmem:s28+$0x16470]  }
0x21f: {  	[tilespmem:s28+$0x10040] =	vst v0;
	v0 =	vadd.f32 v6, v2;
	v2 =	vld [tilespmem:s28+$0x10080]  }
0x220: {  	v6 =	vld [tilespmem:s28+$0x16480]  }
0x221: {  	[tilespmem:s28+$0x10050] =	vst v0;
	v0 =	vadd.f32 v5, v1;
	v1 =	vld [tilespmem:s28+$0x10090]  }
0x222: {  	v5 =	vld [tilespmem:s28+$0x16490]  }
0x223: {  	[tilespmem:s28+$0x10060] =	vst v0;
	v0 =	vadd.f32 v4, v3;
	v3 =	vld [tilespmem:s28+$0x100A0]  }
0x224: {  	v4 =	vld [tilespmem:s28+$0x164A0]  }
0x225: {  	[tilespmem:s28+$0x10070] =	vst v0;
	v0 =	vadd.f32 v6, v2;
	v2 =	vld [tilespmem:s28+$0x100B0]  }
0x226: {  	v6 =	vld [tilespmem:s28+$0x164B0]  }
0x227: {  	[tilespmem:s28+$0x10080] =	vst v0;
	v0 =	vadd.f32 v5, v1;
	v1 =	vld [tilespmem:s28+$0x100C0]  }
0x228: {  	v5 =	vld [tilespmem:s28+$0x164C0]  }
0x229: {  	[tilespmem:s28+$0x10090] =	vst v0;
	v0 =	vadd.f32 v4, v3;
	v3 =	vld [tilespmem:s28+$0x100D0]  }
0x22a: {  	v4 =	vld [tilespmem:s28+$0x164D0]  }
0x22b: {  	[tilespmem:s28+$0x100A0] =	vst v0;
	v0 =	vadd.f32 v6, v2;
	v2 =	vld [tilespmem:s28+$0x100E0]  }
0x22c: {  	v6 =	vld [tilespmem:s28+$0x164E0]  }
0x22d: {  	[tilespmem:s28+$0x100B0] =	vst v0;
	v0 =	vadd.f32 v5, v1;
	v1 =	vld [tilespmem:s28+$0x100F0]  }
0x22e: {  	v5 =	vld [tilespmem:s28+$0x164F0]  }
0x22f: {  	[tilespmem:s28+$0x100C0] =	vst v0;
	v0 =	vadd.f32 v4, v3;
	v3 =	vld [tilespmem:s28+$0x10100]  }
0x230: {  	v4 =	vld [tilespmem:s28+$0x16500]  }
0x231: {  	[tilespmem:s28+$0x100D0] =	vst v0;
	v0 =	vadd.f32 v6, v2;
	v2 =	vld [tilespmem:s28+$0x10110]  }
0x232: {  	v6 =	vld [tilespmem:s28+$0x16510]  }
0x233: {  	[tilespmem:s28+$0x100E0] =	vst v0;
	v0 =	vadd.f32 v5, v1;
	v1 =	vld [tilespmem:s28+$0x10120]  }
0x234: {  	v5 =	vld [tilespmem:s28+$0x16520]  }
0x235: {  	[tilespmem:s28+$0x100F0] =	vst v0;
	v0 =	vadd.f32 v4, v3;
	v3 =	vld [tilespmem:s28+$0x10130]  }
0x236: {  	v4 =	vld [tilespmem:s28+$0x16530]  }
0x237: {  	[tilespmem:s28+$0x10100] =	vst v0;
	v0 =	vadd.f32 v6, v2;
	v2 =	vld [tilespmem:s28+$0x10140]  }
0x238: {  	v6 =	vld [tilespmem:s28+$0x16540]  }
0x239: {  	[tilespmem:s28+$0x10110] =	vst v0;
	v0 =	vadd.f32 v5, v1;
	v1 =	vld [tilespmem:s28+$0x10150]  }
0x23a: {  	v5 =	vld [tilespmem:s28+$0x16550]  }
0x23b: {  	[tilespmem:s28+$0x10120] =	vst v0;
	v0 =	vadd.f32 v4, v3;
	v3 =	vld [tilespmem:s28+$0x10160]  }
0x23c: {  	v4 =	vld [tilespmem:s28+$0x16560]  }
0x23d: {  	[tilespmem:s28+$0x10130] =	vst v0;
	v0 =	vadd.f32 v6, v2;
	v2 =	vld [tilespmem:s28+$0x10170]  }
0x23e: {  	v6 =	vld [tilespmem:s28+$0x16570]  }
0x23f: {  	[tilespmem:s28+$0x10140] =	vst v0;
	v0 =	vadd.f32 v5, v1;
	v1 =	vld [tilespmem:s28+$0x10180]  }
0x240: {  	v5 =	vld [tilespmem:s28+$0x16580]  }
0x241: {  	[tilespmem:s28+$0x10150] =	vst v0;
	v0 =	vadd.f32 v4, v3;
	v3 =	vld [tilespmem:s28+$0x10190]  }
0x242: {  	v4 =	vld [tilespmem:s28+$0x16590]  }
0x243: {  	[tilespmem:s28+$0x10160] =	vst v0;
	v0 =	vadd.f32 v6, v2;
	v2 =	vld [tilespmem:s28+$0x101A0]  }
0x244: {  	v6 =	vld [tilespmem:s28+$0x165A0]  }
0x245: {  	[tilespmem:s28+$0x10170] =	vst v0;
	v0 =	vadd.f32 v5, v1;
	v5 =	vld [tilespmem:s28+$0x101B0]  }
0x246: {  	v7 =	vld [tilespmem:s28+$0x165B0]  }
.Ltmp3:
0x247: {  	[tilespmem:s28+$0x10180] =	vst v0;
	v3 =	vadd.f32 v4, v3;
	v0 =	vld [tilespmem:s28+$0x101C0];
	(pc) =	sbr.rel @p0 .LBB2_9-.Ltmp3, $4  }
0x248: {  	v1 =	vld [tilespmem:s28+$0x165C0]  }
0x249: {  	[tilespmem:s28+$0x10190] =	vst v3;
	v4 =	vadd.f32 v6, v2;
	v2 =	vld [tilespmem:s28+$0x101D0]  }
0x24a: {  	v3 =	vld [tilespmem:s28+$0x165D0]  }
0x24b: {  	s0 =	sadd.s32 $0x800, s0;
	[tilespmem:s28+$0x101A0] =	vst v4;
	v5 =	vadd.f32 v7, v5;
	v4 =	vld [tilespmem:s28+$0x101E0]  }
0x24c: {  	v6 =	vld [tilespmem:s28+$0x165E0];
	_ =	sdelay $0x1  }
0x24d: {  	s26 =	sadd.s32 $0x1, s26  }
0x24e: {  	v0 =	vadd.f32 v1, v0;
	p0 =	sne.s32 s26, $0x40  }
.Ltmp4:
0x24f: {  	[tilespmem:s28+$0x101B0] =	vst v5;
	v62 =	vadd.f32 v3, v2;
	(pc) =	sbr.rel @p0 .LBB2_2-.Ltmp4, $4  }
0x250: {  	[tilespmem:s28+$0x101C0] =	vst v0;
	v63 =	vadd.f32 v6, v4  }
0x251: {  	[tilespmem:s28+$0x101D0] =	vst v62  }
0x252: {  	s0 =	sadd.s32 $0x600, s29;
	[tilespmem:s28+$0x101E0] =	vst v63  }
0x253: {  	[hbm4b:s0+s5] =	stream.linear.scatter [tilespmem:s17], [sflag:$0x8], $0x3400, $0x38;
	[tilespmem:$0x19800] =	vst v63  }
0x254: {  	_ =	swait.ge [sflag:s21], $0x3000  }
0x255: {  	[sflag:s21] =	ssyncset.done $0x0  }
0x256: {  	[sflag:s21] =	ssyncadd.s32 $0xFFFFD000  }
0x257: {  	_ =	swait.ge [sflag:s22], $0x3400  }
0x258: {  	[sflag:s22] =	ssyncset.done $0x0  }
0x259: {  	s25 =	sadd.s32 $0x1, s25;
	[sflag:s22] =	ssyncadd.s32 $0xFFFFCC00  }
0x25a: {  	p0 =	sne.s32 s25, s8;
	_ =	swait.ge [sflag:s23], $0x3000  }
.Ltmp5:
0x25b: {  	[sflag:s23] =	ssyncset.done $0x0;
	(pc) =	sbr.rel @p0 .LBB2_1-.Ltmp5, $4  }
0x25c: {  	[sflag:s23] =	ssyncadd.s32 $0xFFFFD000  }
0x25d: {  	_ =	swait.ge [sflag:s24], $0x3400  }
0x25e: {  	[sflag:s24] =	ssyncset.done $0x0  }
0x25f: {  	[sflag:s24] =	ssyncadd.s32 $0xFFFFCC00  }
0x260: {  	_ =	sfence.sel $0x180000  }
0x261: {  	[bflag:$0x0] =	sbarrier.arrive $0xFFFF  }
0x262: {  	_ =	strace $0x90000047  }
0x263: {  	s0 =	stileid.u32;
	[bflag:$0x2] =	sbarrier.arrive $0xFFFF  }
0x264: {  	p0 =	sne.s32 s0, $0x0;
	s0 =	rddreg [dreg:$0x4]  }
0x265: {  	s0 =	sadd.s32 @!p0 $0x100000, s0  }
0x266: {  	[sflag:s0] =	ssyncadd.tile.s32 @!p0 $0x1;
	_ =	shalt  }
.Lfunc_end2:
_tile_overlayer_lowered:
.L_overlay_start_2:
0x267: {  	(tag) =	ssettag $0x2  }
0x268: {  	s0 =	rddreg [dreg:$0x0];
	s2 =	stileid.u32  }
0x269: {  	s1 =	rddreg [dreg:$0x1];
	p0 =	sne.s32 s2, $0x0  }
0x26a: {  	s3 =	rddreg [dreg:$0x2];
	[bflag:$0x3] =	sbarrier.arrive $0xFFFF;
	s2 =	simm.s32 @!p0 $0x1C09  }
0x26b: {  	[timem:s3], [sflag:s2] =	dma.local @!p0 [hbm:s0], s1  }
0x26c: {  	s0 =	simm.s32 @!p0 $0x9  }
0x26d: {  	_ =	swait.ge @!p0 [sflag:s0], s1  }
0x26e: {  	s1 =	ssub.s32 @!p0 $0x0, s1;
	[sflag:s0] =	ssyncset.done @!p0 $0x0  }
0x26f: {  	[sflag:s0] =	ssyncadd.s32 @!p0 s1  }
0x270: {  	[bflag:$0x3] =	sbarrier.arrive $0xFFFF  }
0x271: {  	_ =	shalt  }

</sc_bundles>
